<compile_context>
chip_gen: v7x
topology: tpu7x:2x2x1
jax: 0.10.2.dev20260603
libtpu: 0.0.44.dev20260713+nightly
codegen_flags: <defaults>
</compile_context>

<pallas_src>
import dataclasses
import functools

import jax
import jax.numpy as jnp
from jax import lax
from jax.experimental import pallas as pl
from jax.experimental.pallas import tpu as pltpu
from jax.experimental.pallas import tpu_sc as plsc

NUM_FIELDS = 26
VOCAB = 100000
EMB_DIM = 32
NUM_NUM = 13
HIDDEN = 128
BATCH = 16384

SC_CORES = 2
SC_SUBCORES = 16
GATHER_CHUNK = 128
MLP_BLOCK = 1024


def _sc_gather(table_wide, g_idx, r_idx):
    num_indices = g_idx.shape[0]
    n_workers = SC_CORES * SC_SUBCORES
    rows_per_worker = num_indices // n_workers
    C = GATHER_CHUNK
    n_chunks = rows_per_worker // C
    assert rows_per_worker % C == 0
    mesh = plsc.VectorSubcoreMesh(core_axis_name="c", subcore_axis_name="s")
    cp = pltpu.CompilerParams()
    if "needs_layout_passes" in pltpu.CompilerParams.__dataclass_fields__:
        cp = dataclasses.replace(cp, needs_layout_passes=False)

    @functools.partial(
        pl.kernel,
        mesh=mesh,
        compiler_params=cp,
        out_type=jax.ShapeDtypeStruct((num_indices, EMB_DIM), jnp.float32),
        scratch_types=[
            pltpu.VMEM((rows_per_worker,), jnp.int32),
            pltpu.VMEM((rows_per_worker,), jnp.int32),
            pltpu.VMEM((rows_per_worker,), jnp.int32),
            pltpu.VMEM((C, 128), jnp.float32),
            pltpu.VMEM((C, 128), jnp.float32),
            pltpu.VMEM((C, EMB_DIM), jnp.float32),
            pltpu.VMEM((C, EMB_DIM), jnp.float32),
            pltpu.SemaphoreType.DMA,
            pltpu.SemaphoreType.DMA,
            pltpu.SemaphoreType.DMA,
            pltpu.SemaphoreType.DMA,
        ],
    )
    def gather_kernel(table_hbm, g_hbm, r_hbm, out_hbm, g_all, r_all, c_all,
                      buf0, buf1, rows0, rows1, sem0, sem1, semw0, semw1):
        wid = lax.axis_index("s") * SC_CORES + lax.axis_index("c")
        base = wid * rows_per_worker
        lane = lax.broadcasted_iota(jnp.int32, (16,), 0)
        H = C // 2

        pltpu.sync_copy(g_hbm.at[pl.ds(base, rows_per_worker)], g_all)
        pltpu.sync_copy(r_hbm.at[pl.ds(base, rows_per_worker)], r_all)

        @pl.loop(0, rows_per_worker, step=16)
        def _(i):
            c_all[pl.ds(i, 16)] = r_all[pl.ds(i, 16)] * 32

        def start_gather(k, buf, sem):
            pltpu.async_copy(
                table_hbm.at[g_all.at[pl.ds(k * C, H)]],
                buf.at[pl.ds(0, H)], sem)
            pltpu.async_copy(
                table_hbm.at[g_all.at[pl.ds(k * C + H, H)]],
                buf.at[pl.ds(H, H)], sem)

        def wait_gather(buf, sem):
            pltpu.make_async_copy(
                table_hbm.at[pl.ds(0, H)], buf.at[pl.ds(0, H)], sem).wait()
            pltpu.make_async_copy(
                table_hbm.at[pl.ds(0, H)], buf.at[pl.ds(H, H)], sem).wait()

        def extract_and_flush(buf, rows_v, semw, k, t):
            @pl.when(t > 0)
            def _():
                pltpu.make_async_copy(
                    rows_v, out_hbm.at[pl.ds(0, C)], semw).wait()

            @pl.loop(0, C, step=16)
            def _(i):
                row16 = i + lane
                col_base = c_all[pl.ds(k * C + i, 16)]
                for j in range(EMB_DIM):
                    vals = plsc.load_gather(buf, [row16, col_base + j])
                    plsc.store_scatter(rows_v, [row16, lane * 0 + j], vals)

            pltpu.async_copy(rows_v, out_hbm.at[pl.ds(base + k * C, C)], semw)

        n2 = n_chunks // 2
        start_gather(0, buf0, sem0)

        @pl.loop(0, n2)
        def _(t):
            k0 = 2 * t
            start_gather(k0 + 1, buf1, sem1)
            wait_gather(buf0, sem0)
            extract_and_flush(buf0, rows0, semw0, k0, t)

            @pl.when(t + 1 < n2)
            def _():
                start_gather(k0 + 2, buf0, sem0)

            wait_gather(buf1, sem1)
            extract_and_flush(buf1, rows1, semw1, k0 + 1, t)

        pltpu.make_async_copy(rows0, out_hbm.at[pl.ds(0, C)], semw0).wait()
        pltpu.make_async_copy(rows1, out_hbm.at[pl.ds(0, C)], semw1).wait()

    return gather_kernel(table_wide, g_idx, r_idx)


def _compact_kernel(x0_ref, x1_ref, x2_ref, x3_ref, o_ref):
    o_ref[...] = jnp.concatenate(
        [x0_ref[...], x1_ref[...], x2_ref[...], x3_ref[...]], axis=1)


QUARTER = NUM_FIELDS * VOCAB // 4


def _tc_compact(tables_flat):
    blk = 1000
    nb = QUARTER // blk
    grid = (nb,)
    specs = [
        pl.BlockSpec((blk, EMB_DIM),
                     functools.partial(lambda a, i: (a * nb + i, 0), a))
        for a in range(4)
    ]
    return pl.pallas_call(
        _compact_kernel,
        grid=grid,
        in_specs=specs,
        out_specs=pl.BlockSpec((blk, 4 * EMB_DIM), lambda i: (i, 0)),
        out_shape=jax.ShapeDtypeStruct((QUARTER, 4 * EMB_DIM), jnp.float32),
    )(tables_flat, tables_flat, tables_flat, tables_flat)


def _mlp_kernel(emb_ref, xn_ref, w1e_ref, w1n_ref, b1_ref, w2_ref, b2_ref,
                w3_ref, b3_ref, o_ref):
    h = jnp.dot(emb_ref[...], w1e_ref[...], preferred_element_type=jnp.float32)
    h = h + jnp.dot(xn_ref[...], w1n_ref[...], preferred_element_type=jnp.float32)
    h = jax.nn.relu(h + b1_ref[...])
    h = jax.nn.relu(jnp.dot(h, w2_ref[...], preferred_element_type=jnp.float32)
                    + b2_ref[...])
    o_ref[...] = (jnp.dot(h, w3_ref[...], preferred_element_type=jnp.float32)
                  + b3_ref[...])


def _tc_mlp(emb_flat, x_numerical, W1, b1, W2, b2, W3, b3):
    batch = emb_flat.shape[0]
    emb_width = NUM_FIELDS * EMB_DIM
    W1e = W1[:emb_width]
    W1n = W1[emb_width:]
    grid = (batch // MLP_BLOCK,)
    return pl.pallas_call(
        _mlp_kernel,
        grid=grid,
        in_specs=[
            pl.BlockSpec((MLP_BLOCK, emb_width), lambda i: (i, 0)),
            pl.BlockSpec((MLP_BLOCK, NUM_NUM), lambda i: (i, 0)),
            pl.BlockSpec((emb_width, HIDDEN), lambda i: (0, 0)),
            pl.BlockSpec((NUM_NUM, HIDDEN), lambda i: (0, 0)),
            pl.BlockSpec((1, HIDDEN), lambda i: (0, 0)),
            pl.BlockSpec((HIDDEN, HIDDEN // 2), lambda i: (0, 0)),
            pl.BlockSpec((1, HIDDEN // 2), lambda i: (0, 0)),
            pl.BlockSpec((HIDDEN // 2, 1), lambda i: (0, 0)),
            pl.BlockSpec((1, 1), lambda i: (0, 0)),
        ],
        out_specs=pl.BlockSpec((MLP_BLOCK, 1), lambda i: (i, 0)),
        out_shape=jax.ShapeDtypeStruct((batch, 1), jnp.float32),
    )(emb_flat, x_numerical, W1e, W1n, b1.reshape(1, HIDDEN), W2,
      b2.reshape(1, HIDDEN // 2), W3, b3.reshape(1, 1))


def kernel(x_categorical, x_numerical, tables, W1, b1, W2, b2, W3, b3):
    offsets = (jnp.arange(NUM_FIELDS, dtype=jnp.int32) * VOCAB)[None, :]
    flat_idx = (x_categorical + offsets).reshape(BATCH * NUM_FIELDS)
    g_idx = flat_idx % QUARTER
    r_idx = flat_idx // QUARTER
    table_wide = _tc_compact(tables.reshape(NUM_FIELDS * VOCAB, EMB_DIM))
    emb = _sc_gather(table_wide, g_idx, r_idx)
    emb_flat = emb.reshape(BATCH, NUM_FIELDS * EMB_DIM)
    return _tc_mlp(emb_flat, x_numerical, W1, b1, W2, b2, W3, b3)

# --- scband reference (transcript-rebuilt; emitter-appended) ---
"""Pipeline reference for scband-forecasting-model-12747462934574 (READ-ONLY COPY).

The authoritative reference and input builder live on the scoring server;
editing this copy changes nothing except your own understanding.
"""

import jax, jax.numpy as jnp
import numpy as np

NUM_FIELDS = 26
VOCAB = 100000
EMB_DIM = 32
NUM_NUM = 13
HIDDEN = 128
BATCH = 16384


def setup_inputs(seed: int = 0) -> dict:
    key = jax.random.key(seed)
    ks = jax.random.split(key, 10)
    x_categorical = jax.random.randint(ks[0], (BATCH, NUM_FIELDS), 0, VOCAB, dtype=jnp.int64 if jax.config.jax_enable_x64 else jnp.int32).astype(jnp.int32)
    x_numerical = jax.random.normal(ks[1], (BATCH, NUM_NUM), dtype=jnp.float32)
    # stacked embedding tables: [NUM_FIELDS, VOCAB, EMB_DIM]
    tables = jax.random.normal(ks[2], (NUM_FIELDS, VOCAB, EMB_DIM), dtype=jnp.float32) * 0.05
    input_dim = NUM_FIELDS * EMB_DIM + NUM_NUM  # 845
    W1 = jax.random.normal(ks[3], (input_dim, HIDDEN), dtype=jnp.float32) * (1.0 / np.sqrt(input_dim))
    b1 = jnp.zeros((HIDDEN,), dtype=jnp.float32)
    W2 = jax.random.normal(ks[4], (HIDDEN, HIDDEN // 2), dtype=jnp.float32) * (1.0 / np.sqrt(HIDDEN))
    b2 = jnp.zeros((HIDDEN // 2,), dtype=jnp.float32)
    W3 = jax.random.normal(ks[5], (HIDDEN // 2, 1), dtype=jnp.float32) * (1.0 / np.sqrt(HIDDEN // 2))
    b3 = jnp.zeros((1,), dtype=jnp.float32)
    return {"x_categorical": x_categorical, "x_numerical": x_numerical, "tables": tables,
            "W1": W1, "b1": b1, "W2": W2, "b2": b2, "W3": W3, "b3": b3}


def reference(x_categorical, x_numerical, tables, W1, b1, W2, b2, W3, b3):
    # per-field embedding lookup: tables[i][x_categorical[:, i]] for each field i
    # vmap over fields; result [B, NUM_FIELDS, EMB_DIM]
    embedded = jax.vmap(lambda tbl, idx: jnp.take(tbl, idx, axis=0), in_axes=(0, 1), out_axes=1)(tables, x_categorical)
    emb_flat = embedded.reshape(embedded.shape[0], -1)  # [B, 26*32]
    x = jnp.concatenate([emb_flat, x_numerical], axis=1)  # [B, 845]
    # fc: Linear -> ReLU -> (Dropout eval=identity) -> Linear -> ReLU -> (Dropout) -> Linear
    h = jax.nn.relu(x @ W1 + b1)
    h = jax.nn.relu(h @ W2 + b2)
    out = h @ W3 + b3  # [B, 1]
    return out

if __name__ == "__main__":
    import jax
    _d = setup_inputs()
    print(jax.jit(kernel)(*tuple(_d.values())))

</pallas_src>

<mosaic_0001>
#map = affine_map<(d0, d1) -> (0, 0)>
#map1 = affine_map<(d0, d1) -> (0)>
module attributes {stable_mosaic.version = 14 : i64} {
  func.func @gather_kernel(%arg0: i32, %arg1: i32, %arg2: memref<650000x128xf32, #tpu.memory_space<hbm>>, %arg3: memref<425984xi32, #tpu.memory_space<hbm>>, %arg4: memref<425984xi32, #tpu.memory_space<hbm>>, %arg5: memref<425984x32xf32, #tpu.memory_space<hbm>>, %arg6: memref<13312xi32, #tpu.memory_space<vmem>>, %arg7: memref<13312xi32, #tpu.memory_space<vmem>>, %arg8: memref<13312xi32, #tpu.memory_space<vmem>>, %arg9: memref<128x128xf32, #tpu.memory_space<vmem>>, %arg10: memref<128x128xf32, #tpu.memory_space<vmem>>, %arg11: memref<128x32xf32, #tpu.memory_space<vmem>>, %arg12: memref<128x32xf32, #tpu.memory_space<vmem>>, %arg13: memref<!tpu.dma_semaphore, #tpu.memory_space<semaphore_mem>>, %arg14: memref<!tpu.dma_semaphore, #tpu.memory_space<semaphore_mem>>, %arg15: memref<!tpu.dma_semaphore, #tpu.memory_space<semaphore_mem>>, %arg16: memref<!tpu.dma_semaphore, #tpu.memory_space<semaphore_mem>>) attributes {dimension_semantics = [#tpu.dimension_semantics<core_parallel>, #tpu.dimension_semantics<subcore_parallel>], iteration_bounds = array<i64: 2, 16>, scalar_prefetch = 0 : i64, scratch_operands = 11 : i64, tpu.core_type = #tpu.core_type<sc_vector_subcore>, window_params = [{transform_indices = #map}, {transform_indices = #map1}, {transform_indices = #map1}, {transform_indices = #map}]} {
    %mul3A = arith.constant 2 : i32
    %mul3A_0 = arith.muli %arg1, %mul3A : i32
    %add3A = arith.addi %mul3A_0, %arg0 : i32
    %mul3A_1 = arith.constant 13312 : i32
    %mul3A_2 = arith.muli %add3A, %mul3A_1 : i32
    %iota3A = tpu.iota {dimensions = array<i32: 0>} : vector<16xi32>
    "tpu.region"() ({
      %run_scoped3A = tpu.sem_alloc : memref<!tpu.dma_semaphore, #tpu.memory_space<semaphore_mem>>
      %dma_start3A_38 = tpu.memref_slice %arg3[%mul3A_2] : memref<425984xi32, #tpu.memory_space<hbm>> -> memref<13312xi32, #tpu.memory_space<hbm>>
      %dma_start3A_39 = tpu.memref_slice %arg3[%mul3A_2] : memref<425984xi32, #tpu.memory_space<hbm>> -> memref<13312xi32, #tpu.memory_space<hbm>>
      tpu.enqueue_dma source(%dma_start3A_39 : memref<13312xi32, #tpu.memory_space<hbm>>) target(%arg6 : memref<13312xi32, #tpu.memory_space<vmem>>) target_semaphore(%run_scoped3A : memref<!tpu.dma_semaphore, #tpu.memory_space<semaphore_mem>>)
      %dma_wait3A_40 = tpu.memref_slice %arg3[%mul3A_2] : memref<425984xi32, #tpu.memory_space<hbm>> -> memref<13312xi32, #tpu.memory_space<hbm>>
      %dma_wait3A_41 = tpu.memref_slice %arg3[%mul3A_2] : memref<425984xi32, #tpu.memory_space<hbm>> -> memref<13312xi32, #tpu.memory_space<hbm>>
      tpu.wait_dma2 semaphore(%run_scoped3A : memref<!tpu.dma_semaphore, #tpu.memory_space<semaphore_mem>>) src(%dma_wait3A_41 : memref<13312xi32, #tpu.memory_space<hbm>>) dst(%arg6 : memref<13312xi32, #tpu.memory_space<vmem>>)
      tpu.yield
    }) : () -> ()
    "tpu.region"() ({
      %run_scoped3A = tpu.sem_alloc : memref<!tpu.dma_semaphore, #tpu.memory_space<semaphore_mem>>
      %dma_start3A_38 = tpu.memref_slice %arg4[%mul3A_2] : memref<425984xi32, #tpu.memory_space<hbm>> -> memref<13312xi32, #tpu.memory_space<hbm>>
      %dma_start3A_39 = tpu.memref_slice %arg4[%mul3A_2] : memref<425984xi32, #tpu.memory_space<hbm>> -> memref<13312xi32, #tpu.memory_space<hbm>>
      tpu.enqueue_dma source(%dma_start3A_39 : memref<13312xi32, #tpu.memory_space<hbm>>) target(%arg7 : memref<13312xi32, #tpu.memory_space<vmem>>) target_semaphore(%run_scoped3A : memref<!tpu.dma_semaphore, #tpu.memory_space<semaphore_mem>>)
      %dma_wait3A_40 = tpu.memref_slice %arg4[%mul3A_2] : memref<425984xi32, #tpu.memory_space<hbm>> -> memref<13312xi32, #tpu.memory_space<hbm>>
      %dma_wait3A_41 = tpu.memref_slice %arg4[%mul3A_2] : memref<425984xi32, #tpu.memory_space<hbm>> -> memref<13312xi32, #tpu.memory_space<hbm>>
      tpu.wait_dma2 semaphore(%run_scoped3A : memref<!tpu.dma_semaphore, #tpu.memory_space<semaphore_mem>>) src(%dma_wait3A_41 : memref<13312xi32, #tpu.memory_space<hbm>>) dst(%arg7 : memref<13312xi32, #tpu.memory_space<vmem>>)
      tpu.yield
    }) : () -> ()
    %scan3A = arith.constant 0 : i32
    %scan3A_3 = arith.constant 832 : i32
    %scan3A_4 = arith.addi %scan3A, %scan3A_3 : i32
    %scan3A_5 = arith.constant 1 : i32
    scf.for %scan3A_38 = %scan3A to %scan3A_4 step %scan3A_5  : i32 {
      %mul3A_39 = arith.constant 16 : i32
      %mul3A_40 = arith.muli %scan3A_38, %mul3A_39 : i32
      %add3A_41 = arith.constant 0 : i32
      %add3A_42 = arith.addi %add3A_41, %mul3A_40 : i32
      %get3A = arith.index_cast %add3A_42 : i32 to index
      %get3A_43 = tpu.vector_load %arg7[%get3A] {strides = array<i32>} : memref<13312xi32, #tpu.memory_space<vmem>>, vector<16xi32>,
      %mul3A_44 = arith.constant 32 : i32
      %mul3A_45 = vector.broadcast %mul3A_44 : i32 to vector<16xi32>
      %mul3A_46 = arith.muli %get3A_43, %mul3A_45 : vector<16xi32>
      %swap3A = arith.index_cast %add3A_42 : i32 to index
      %swap3A_47 = tpu.vector_load %arg8[%swap3A] {strides = array<i32>} : memref<13312xi32, #tpu.memory_space<vmem>>, vector<16xi32>,
      tpu.vector_store %arg8[%swap3A], %mul3A_46 {strides = array<i32>} : memref<13312xi32, #tpu.memory_space<vmem>>, vector<16xi32>,
    }
    %scan3A_6 = arith.constant 832 : i32
    %dma_start3A = arith.constant 0 : i32
    %dma_start3A_7 = arith.constant 0 : i32
    %dma_start3A_8 = tpu.memref_slice %arg9[%dma_start3A, %dma_start3A_7] : memref<128x128xf32, #tpu.memory_space<vmem>> -> memref<64x128xf32, #tpu.memory_space<vmem>>
    %dma_start3A_9 = arith.constant 0 : i32
    %dma_start3A_10 = tpu.memref_slice %arg6[%dma_start3A_9] : memref<13312xi32, #tpu.memory_space<vmem>> -> memref<64xi32, #tpu.memory_space<vmem>>
    %dma_start3A_11 = arith.constant 0 : i32
    %dma_start3A_12 = arith.constant 0 : i32
    %dma_start3A_13 = tpu.memref_slice %arg2[%dma_start3A_11, %dma_start3A_12] : memref<650000x128xf32, #tpu.memory_space<hbm>> -> memref<650000x128xf32, #tpu.memory_space<hbm>>
    tpu.enqueue_indirect_dma source(%dma_start3A_13 : memref<650000x128xf32, #tpu.memory_space<hbm>>) target(%dma_start3A_8 : memref<64x128xf32, #tpu.memory_space<vmem>>) offsets(%dma_start3A_10 : memref<64xi32, #tpu.memory_space<vmem>>) semaphore(%arg13 : memref<!tpu.dma_semaphore, #tpu.memory_space<semaphore_mem>>)
    %dma_start3A_14 = arith.constant 64 : i32
    %dma_start3A_15 = arith.constant 0 : i32
    %dma_start3A_16 = tpu.memref_slice %arg9[%dma_start3A_14, %dma_start3A_15] : memref<128x128xf32, #tpu.memory_space<vmem>> -> memref<64x128xf32, #tpu.memory_space<vmem>>
    %dma_start3A_17 = arith.constant 64 : i32
    %dma_start3A_18 = tpu.memref_slice %arg6[%dma_start3A_17] : memref<13312xi32, #tpu.memory_space<vmem>> -> memref<64xi32, #tpu.memory_space<vmem>>
    %dma_start3A_19 = arith.constant 0 : i32
    %dma_start3A_20 = arith.constant 0 : i32
    %dma_start3A_21 = tpu.memref_slice %arg2[%dma_start3A_19, %dma_start3A_20] : memref<650000x128xf32, #tpu.memory_space<hbm>> -> memref<650000x128xf32, #tpu.memory_space<hbm>>
    tpu.enqueue_indirect_dma source(%dma_start3A_21 : memref<650000x128xf32, #tpu.memory_space<hbm>>) target(%dma_start3A_16 : memref<64x128xf32, #tpu.memory_space<vmem>>) offsets(%dma_start3A_18 : memref<64xi32, #tpu.memory_space<vmem>>) semaphore(%arg13 : memref<!tpu.dma_semaphore, #tpu.memory_space<semaphore_mem>>)
    %scan3A_22 = arith.constant 0 : i32
    %scan3A_23 = arith.constant 52 : i32
    %scan3A_24 = arith.addi %scan3A_22, %scan3A_23 : i32
    %scan3A_25 = arith.constant 1 : i32
    scf.for %scan3A_38 = %scan3A_22 to %scan3A_24 step %scan3A_25  : i32 {
      %mul3A_39 = arith.constant 1 : i32
      %mul3A_40 = arith.muli %scan3A_38, %mul3A_39 : i32
      %add3A_41 = arith.constant 0 : i32
      %add3A_42 = arith.addi %add3A_41, %mul3A_40 : i32
      %mul3A_43 = arith.constant 2 : i32
      %mul3A_44 = arith.muli %mul3A_43, %add3A_42 : i32
      %add3A_45 = arith.constant 1 : i32
      %add3A_46 = arith.addi %mul3A_44, %add3A_45 : i32
      %mul3A_47 = arith.constant 128 : i32
      %mul3A_48 = arith.muli %add3A_46, %mul3A_47 : i32
      %dma_start3A_49 = arith.constant 0 : i32
      %dma_start3A_50 = arith.constant 0 : i32
      %dma_start3A_51 = tpu.memref_slice %arg10[%dma_start3A_49, %dma_start3A_50] : memref<128x128xf32, #tpu.memory_space<vmem>> -> memref<64x128xf32, #tpu.memory_space<vmem>>
      %dma_start3A_52 = tpu.memref_slice %arg6[%mul3A_48] : memref<13312xi32, #tpu.memory_space<vmem>> -> memref<64xi32, #tpu.memory_space<vmem>>
      %dma_start3A_53 = arith.constant 0 : i32
      %dma_start3A_54 = arith.constant 0 : i32
      %dma_start3A_55 = tpu.memref_slice %arg2[%dma_start3A_53, %dma_start3A_54] : memref<650000x128xf32, #tpu.memory_space<hbm>> -> memref<650000x128xf32, #tpu.memory_space<hbm>>
      tpu.enqueue_indirect_dma source(%dma_start3A_55 : memref<650000x128xf32, #tpu.memory_space<hbm>>) target(%dma_start3A_51 : memref<64x128xf32, #tpu.memory_space<vmem>>) offsets(%dma_start3A_52 : memref<64xi32, #tpu.memory_space<vmem>>) semaphore(%arg14 : memref<!tpu.dma_semaphore, #tpu.memory_space<semaphore_mem>>)
      %mul3A_56 = arith.constant 128 : i32
      %mul3A_57 = arith.muli %add3A_46, %mul3A_56 : i32
      %add3A_58 = arith.constant 64 : i32
      %add3A_59 = arith.addi %mul3A_57, %add3A_58 : i32
      %dma_start3A_60 = arith.constant 64 : i32
      %dma_start3A_61 = arith.constant 0 : i32
      %dma_start3A_62 = tpu.memref_slice %arg10[%dma_start3A_60, %dma_start3A_61] : memref<128x128xf32, #tpu.memory_space<vmem>> -> memref<64x128xf32, #tpu.memory_space<vmem>>
      %dma_start3A_63 = tpu.memref_slice %arg6[%add3A_59] : memref<13312xi32, #tpu.memory_space<vmem>> -> memref<64xi32, #tpu.memory_space<vmem>>
      %dma_start3A_64 = arith.constant 0 : i32
      %dma_start3A_65 = arith.constant 0 : i32
      %dma_start3A_66 = tpu.memref_slice %arg2[%dma_start3A_64, %dma_start3A_65] : memref<650000x128xf32, #tpu.memory_space<hbm>> -> memref<650000x128xf32, #tpu.memory_space<hbm>>
      tpu.enqueue_indirect_dma source(%dma_start3A_66 : memref<650000x128xf32, #tpu.memory_space<hbm>>) target(%dma_start3A_62 : memref<64x128xf32, #tpu.memory_space<vmem>>) offsets(%dma_start3A_63 : memref<64xi32, #tpu.memory_space<vmem>>) semaphore(%arg14 : memref<!tpu.dma_semaphore, #tpu.memory_space<semaphore_mem>>)
      %dma_wait3A_67 = arith.constant 0 : i32
      %dma_wait3A_68 = arith.constant 0 : i32
      %dma_wait3A_69 = tpu.memref_slice %arg9[%dma_wait3A_67, %dma_wait3A_68] : memref<128x128xf32, #tpu.memory_space<vmem>> -> memref<64x128xf32, #tpu.memory_space<vmem>>
      %dma_wait3A_70 = arith.constant 0 : i32
      %dma_wait3A_71 = arith.constant 0 : i32
      %dma_wait3A_72 = tpu.memref_slice %arg2[%dma_wait3A_70, %dma_wait3A_71] : memref<650000x128xf32, #tpu.memory_space<hbm>> -> memref<64x128xf32, #tpu.memory_space<hbm>>
      %dma_wait3A_73 = arith.constant 0 : i32
      %dma_wait3A_74 = arith.constant 0 : i32
      %dma_wait3A_75 = tpu.memref_slice %arg9[%dma_wait3A_73, %dma_wait3A_74] : memref<128x128xf32, #tpu.memory_space<vmem>> -> memref<64x128xf32, #tpu.memory_space<vmem>>
      %dma_wait3A_76 = arith.constant 0 : i32
      %dma_wait3A_77 = arith.constant 0 : i32
      %dma_wait3A_78 = tpu.memref_slice %arg2[%dma_wait3A_76, %dma_wait3A_77] : memref<650000x128xf32, #tpu.memory_space<hbm>> -> memref<64x128xf32, #tpu.memory_space<hbm>>
      tpu.wait_dma2 semaphore(%arg13 : memref<!tpu.dma_semaphore, #tpu.memory_space<semaphore_mem>>) src(%dma_wait3A_78 : memref<64x128xf32, #tpu.memory_space<hbm>>) dst(%dma_wait3A_75 : memref<64x128xf32, #tpu.memory_space<vmem>>)
      %dma_wait3A_79 = arith.constant 64 : i32
      %dma_wait3A_80 = arith.constant 0 : i32
      %dma_wait3A_81 = tpu.memref_slice %arg9[%dma_wait3A_79, %dma_wait3A_80] : memref<128x128xf32, #tpu.memory_space<vmem>> -> memref<64x128xf32, #tpu.memory_space<vmem>>
      %dma_wait3A_82 = arith.constant 0 : i32
      %dma_wait3A_83 = arith.constant 0 : i32
      %dma_wait3A_84 = tpu.memref_slice %arg2[%dma_wait3A_82, %dma_wait3A_83] : memref<650000x128xf32, #tpu.memory_space<hbm>> -> memref<64x128xf32, #tpu.memory_space<hbm>>
      %dma_wait3A_85 = arith.constant 64 : i32
      %dma_wait3A_86 = arith.constant 0 : i32
      %dma_wait3A_87 = tpu.memref_slice %arg9[%dma_wait3A_85, %dma_wait3A_86] : memref<128x128xf32, #tpu.memory_space<vmem>> -> memref<64x128xf32, #tpu.memory_space<vmem>>
      %dma_wait3A_88 = arith.constant 0 : i32
      %dma_wait3A_89 = arith.constant 0 : i32
      %dma_wait3A_90 = tpu.memref_slice %arg2[%dma_wait3A_88, %dma_wait3A_89] : memref<650000x128xf32, #tpu.memory_space<hbm>> -> memref<64x128xf32, #tpu.memory_space<hbm>>
      tpu.wait_dma2 semaphore(%arg13 : memref<!tpu.dma_semaphore, #tpu.memory_space<semaphore_mem>>) src(%dma_wait3A_90 : memref<64x128xf32, #tpu.memory_space<hbm>>) dst(%dma_wait3A_87 : memref<64x128xf32, #tpu.memory_space<vmem>>)
      %gt3A = arith.constant 0 : i32
      %gt3A_91 = arith.cmpi sgt, %add3A_42, %gt3A : i32
      %convert_element_type3A = arith.extui %gt3A_91 : i1 to i32
      %cond3A = arith.constant 0 : i32
      %cond3A_92 = arith.cmpi ne, %convert_element_type3A, %cond3A : i32
      scf.if %cond3A_92 {
        %dma_wait3A_154 = arith.constant 0 : i32
        %dma_wait3A_155 = arith.constant 0 : i32
        %dma_wait3A_156 = tpu.memref_slice %arg5[%dma_wait3A_154, %dma_wait3A_155] : memref<425984x32xf32, #tpu.memory_space<hbm>> -> memref<128x32xf32, #tpu.memory_space<hbm>>
        %dma_wait3A_157 = arith.constant 0 : i32
        %dma_wait3A_158 = arith.constant 0 : i32
        %dma_wait3A_159 = tpu.memref_slice %arg5[%dma_wait3A_157, %dma_wait3A_158] : memref<425984x32xf32, #tpu.memory_space<hbm>> -> memref<128x32xf32, #tpu.memory_space<hbm>>
        tpu.wait_dma2 semaphore(%arg15 : memref<!tpu.dma_semaphore, #tpu.memory_space<semaphore_mem>>) src(%arg11 : memref<128x32xf32, #tpu.memory_space<vmem>>) dst(%dma_wait3A_159 : memref<128x32xf32, #tpu.memory_space<hbm>>)
      } else {
      }
      %scan3A_93 = arith.constant 0 : i32
      %scan3A_94 = arith.constant 8 : i32
      %scan3A_95 = arith.addi %scan3A_93, %scan3A_94 : i32
      %scan3A_96 = arith.constant 1 : i32
      scf.for %scan3A_154 = %scan3A_93 to %scan3A_95 step %scan3A_96  : i32 {
        %mul3A_155 = arith.constant 16 : i32
        %mul3A_156 = arith.muli %scan3A_154, %mul3A_155 : i32
        %add3A_157 = arith.constant 0 : i32
        %add3A_158 = arith.addi %add3A_157, %mul3A_156 : i32
        %add3A_159 = vector.broadcast %add3A_158 : i32 to vector<16xi32>
        %add3A_160 = arith.addi %add3A_159, %iota3A : vector<16xi32>
        %mul3A_161 = arith.constant 128 : i32
        %mul3A_162 = arith.muli %mul3A_44, %mul3A_161 : i32
        %add3A_163 = arith.addi %mul3A_162, %add3A_158 : i32
        %get3A = arith.index_cast %add3A_163 : i32 to index
        %get3A_164 = tpu.vector_load %arg8[%get3A] {strides = array<i32>} : memref<13312xi32, #tpu.memory_space<vmem>>, vector<16xi32>,
        %add3A_165 = arith.constant 0 : i32
        %add3A_166 = vector.broadcast %add3A_165 : i32 to vector<16xi32>
        %add3A_167 = arith.addi %get3A_164, %add3A_166 : vector<16xi32>
        %gather3A = tpu.vector_load_idx %arg9[%add3A_160, %add3A_167] : memref<128x128xf32, #tpu.memory_space<vmem>>[vector<16xi32>, vector<16xi32>], vector<16xf32>,
        %mul3A_168 = arith.constant 0 : i32
        %mul3A_169 = vector.broadcast %mul3A_168 : i32 to vector<16xi32>
        %mul3A_170 = arith.muli %iota3A, %mul3A_169 : vector<16xi32>
        %add3A_171 = arith.constant 0 : i32
        %add3A_172 = vector.broadcast %add3A_171 : i32 to vector<16xi32>
        %add3A_173 = arith.addi %mul3A_170, %add3A_172 : vector<16xi32>
        tpu.vector_store_idx %arg11[%add3A_160, %add3A_173], %gather3A : memref<128x32xf32, #tpu.memory_space<vmem>>[vector<16xi32>, vector<16xi32>], vector<16xf32>,
        %add3A_174 = arith.constant 1 : i32
        %add3A_175 = vector.broadcast %add3A_174 : i32 to vector<16xi32>
        %add3A_176 = arith.addi %get3A_164, %add3A_175 : vector<16xi32>
        %gather3A_177 = tpu.vector_load_idx %arg9[%add3A_160, %add3A_176] : memref<128x128xf32, #tpu.memory_space<vmem>>[vector<16xi32>, vector<16xi32>], vector<16xf32>,
        %mul3A_178 = arith.constant 0 : i32
        %mul3A_179 = vector.broadcast %mul3A_178 : i32 to vector<16xi32>
        %mul3A_180 = arith.muli %iota3A, %mul3A_179 : vector<16xi32>
        %add3A_181 = arith.constant 1 : i32
        %add3A_182 = vector.broadcast %add3A_181 : i32 to vector<16xi32>
        %add3A_183 = arith.addi %mul3A_180, %add3A_182 : vector<16xi32>
        tpu.vector_store_idx %arg11[%add3A_160, %add3A_183], %gather3A_177 : memref<128x32xf32, #tpu.memory_space<vmem>>[vector<16xi32>, vector<16xi32>], vector<16xf32>,
        %add3A_184 = arith.constant 2 : i32
        %add3A_185 = vector.broadcast %add3A_184 : i32 to vector<16xi32>
        %add3A_186 = arith.addi %get3A_164, %add3A_185 : vector<16xi32>
        %gather3A_187 = tpu.vector_load_idx %arg9[%add3A_160, %add3A_186] : memref<128x128xf32, #tpu.memory_space<vmem>>[vector<16xi32>, vector<16xi32>], vector<16xf32>,
        %mul3A_188 = arith.constant 0 : i32
        %mul3A_189 = vector.broadcast %mul3A_188 : i32 to vector<16xi32>
        %mul3A_190 = arith.muli %iota3A, %mul3A_189 : vector<16xi32>
        %add3A_191 = arith.constant 2 : i32
        %add3A_192 = vector.broadcast %add3A_191 : i32 to vector<16xi32>
        %add3A_193 = arith.addi %mul3A_190, %add3A_192 : vector<16xi32>
        tpu.vector_store_idx %arg11[%add3A_160, %add3A_193], %gather3A_187 : memref<128x32xf32, #tpu.memory_space<vmem>>[vector<16xi32>, vector<16xi32>], vector<16xf32>,
        %add3A_194 = arith.constant 3 : i32
        %add3A_195 = vector.broadcast %add3A_194 : i32 to vector<16xi32>
        %add3A_196 = arith.addi %get3A_164, %add3A_195 : vector<16xi32>
        %gather3A_197 = tpu.vector_load_idx %arg9[%add3A_160, %add3A_196] : memref<128x128xf32, #tpu.memory_space<vmem>>[vector<16xi32>, vector<16xi32>], vector<16xf32>,
        %mul3A_198 = arith.constant 0 : i32
        %mul3A_199 = vector.broadcast %mul3A_198 : i32 to vector<16xi32>
        %mul3A_200 = arith.muli %iota3A, %mul3A_199 : vector<16xi32>
        %add3A_201 = arith.constant 3 : i32
        %add3A_202 = vector.broadcast %add3A_201 : i32 to vector<16xi32>
        %add3A_203 = arith.addi %mul3A_200, %add3A_202 : vector<16xi32>
        tpu.vector_store_idx %arg11[%add3A_160, %add3A_203], %gather3A_197 : memref<128x32xf32, #tpu.memory_space<vmem>>[vector<16xi32>, vector<16xi32>], vector<16xf32>,
        %add3A_204 = arith.constant 4 : i32
        %add3A_205 = vector.broadcast %add3A_204 : i32 to vector<16xi32>
        %add3A_206 = arith.addi %get3A_164, %add3A_205 : vector<16xi32>
        %gather3A_207 = tpu.vector_load_idx %arg9[%add3A_160, %add3A_206] : memref<128x128xf32, #tpu.memory_space<vmem>>[vector<16xi32>, vector<16xi32>], vector<16xf32>,
        %mul3A_208 = arith.constant 0 : i32
        %mul3A_209 = vector.broadcast %mul3A_208 : i32 to vector<16xi32>
        %mul3A_210 = arith.muli %iota3A, %mul3A_209 : vector<16xi32>
        %add3A_211 = arith.constant 4 : i32
        %add3A_212 = vector.broadcast %add3A_211 : i32 to vector<16xi32>
        %add3A_213 = arith.addi %mul3A_210, %add3A_212 : vector<16xi32>
        tpu.vector_store_idx %arg11[%add3A_160, %add3A_213], %gather3A_207 : memref<128x32xf32, #tpu.memory_space<vmem>>[vector<16xi32>, vector<16xi32>], vector<16xf32>,
        %add3A_214 = arith.constant 5 : i32
        %add3A_215 = vector.broadcast %add3A_214 : i32 to vector<16xi32>
        %add3A_216 = arith.addi %get3A_164, %add3A_215 : vector<16xi32>
        %gather3A_217 = tpu.vector_load_idx %arg9[%add3A_160, %add3A_216] : memref<128x128xf32, #tpu.memory_space<vmem>>[vector<16xi32>, vector<16xi32>], vector<16xf32>,
        %mul3A_218 = arith.constant 0 : i32
        %mul3A_219 = vector.broadcast %mul3A_218 : i32 to vector<16xi32>
        %mul3A_220 = arith.muli %iota3A, %mul3A_219 : vector<16xi32>
        %add3A_221 = arith.constant 5 : i32
        %add3A_222 = vector.broadcast %add3A_221 : i32 to vector<16xi32>
        %add3A_223 = arith.addi %mul3A_220, %add3A_222 : vector<16xi32>
        tpu.vector_store_idx %arg11[%add3A_160, %add3A_223], %gather3A_217 : memref<128x32xf32, #tpu.memory_space<vmem>>[vector<16xi32>, vector<16xi32>], vector<16xf32>,
        %add3A_224 = arith.constant 6 : i32
        %add3A_225 = vector.broadcast %add3A_224 : i32 to vector<16xi32>
        %add3A_226 = arith.addi %get3A_164, %add3A_225 : vector<16xi32>
        %gather3A_227 = tpu.vector_load_idx %arg9[%add3A_160, %add3A_226] : memref<128x128xf32, #tpu.memory_space<vmem>>[vector<16xi32>, vector<16xi32>], vector<16xf32>,
        %mul3A_228 = arith.constant 0 : i32
        %mul3A_229 = vector.broadcast %mul3A_228 : i32 to vector<16xi32>
        %mul3A_230 = arith.muli %iota3A, %mul3A_229 : vector<16xi32>
        %add3A_231 = arith.constant 6 : i32
        %add3A_232 = vector.broadcast %add3A_231 : i32 to vector<16xi32>
        %add3A_233 = arith.addi %mul3A_230, %add3A_232 : vector<16xi32>
        tpu.vector_store_idx %arg11[%add3A_160, %add3A_233], %gather3A_227 : memref<128x32xf32, #tpu.memory_space<vmem>>[vector<16xi32>, vector<16xi32>], vector<16xf32>,
        %add3A_234 = arith.constant 7 : i32
        %add3A_235 = vector.broadcast %add3A_234 : i32 to vector<16xi32>
        %add3A_236 = arith.addi %get3A_164, %add3A_235 : vector<16xi32>
        %gather3A_237 = tpu.vector_load_idx %arg9[%add3A_160, %add3A_236] : memref<128x128xf32, #tpu.memory_space<vmem>>[vector<16xi32>, vector<16xi32>], vector<16xf32>,
        %mul3A_238 = arith.constant 0 : i32
        %mul3A_239 = vector.broadcast %mul3A_238 : i32 to vector<16xi32>
        %mul3A_240 = arith.muli %iota3A, %mul3A_239 : vector<16xi32>
        %add3A_241 = arith.constant 7 : i32
        %add3A_242 = vector.broadcast %add3A_241 : i32 to vector<16xi32>
        %add3A_243 = arith.addi %mul3A_240, %add3A_242 : vector<16xi32>
        tpu.vector_store_idx %arg11[%add3A_160, %add3A_243], %gather3A_237 : memref<128x32xf32, #tpu.memory_space<vmem>>[vector<16xi32>, vector<16xi32>], vector<16xf32>,
        %add3A_244 = arith.constant 8 : i32
        %add3A_245 = vector.broadcast %add3A_244 : i32 to vector<16xi32>
        %add3A_246 = arith.addi %get3A_164, %add3A_245 : vector<16xi32>
        %gather3A_247 = tpu.vector_load_idx %arg9[%add3A_160, %add3A_246] : memref<128x128xf32, #tpu.memory_space<vmem>>[vector<16xi32>, vector<16xi32>], vector<16xf32>,
        %mul3A_248 = arith.constant 0 : i32
        %mul3A_249 = vector.broadcast %mul3A_248 : i32 to vector<16xi32>
        %mul3A_250 = arith.muli %iota3A, %mul3A_249 : vector<16xi32>
        %add3A_251 = arith.constant 8 : i32
        %add3A_252 = vector.broadcast %add3A_251 : i32 to vector<16xi32>
        %add3A_253 = arith.addi %mul3A_250, %add3A_252 : vector<16xi32>
        tpu.vector_store_idx %arg11[%add3A_160, %add3A_253], %gather3A_247 : memref<128x32xf32, #tpu.memory_space<vmem>>[vector<16xi32>, vector<16xi32>], vector<16xf32>,
        %add3A_254 = arith.constant 9 : i32
        %add3A_255 = vector.broadcast %add3A_254 : i32 to vector<16xi32>
        %add3A_256 = arith.addi %get3A_164, %add3A_255 : vector<16xi32>
        %gather3A_257 = tpu.vector_load_idx %arg9[%add3A_160, %add3A_256] : memref<128x128xf32, #tpu.memory_space<vmem>>[vector<16xi32>, vector<16xi32>], vector<16xf32>,
        %mul3A_258 = arith.constant 0 : i32
        %mul3A_259 = vector.broadcast %mul3A_258 : i32 to vector<16xi32>
        %mul3A_260 = arith.muli %iota3A, %mul3A_259 : vector<16xi32>
        %add3A_261 = arith.constant 9 : i32
        %add3A_262 = vector.broadcast %add3A_261 : i32 to vector<16xi32>
        %add3A_263 = arith.addi %mul3A_260, %add3A_262 : vector<16xi32>
        tpu.vector_store_idx %arg11[%add3A_160, %add3A_263], %gather3A_257 : memref<128x32xf32, #tpu.memory_space<vmem>>[vector<16xi32>, vector<16xi32>], vector<16xf32>,
        %add3A_264 = arith.constant 10 : i32
        %add3A_265 = vector.broadcast %add3A_264 : i32 to vector<16xi32>
        %add3A_266 = arith.addi %get3A_164, %add3A_265 : vector<16xi32>
        %gather3A_267 = tpu.vector_load_idx %arg9[%add3A_160, %add3A_266] : memref<128x128xf32, #tpu.memory_space<vmem>>[vector<16xi32>, vector<16xi32>], vector<16xf32>,
        %mul3A_268 = arith.constant 0 : i32
        %mul3A_269 = vector.broadcast %mul3A_268 : i32 to vector<16xi32>
        %mul3A_270 = arith.muli %iota3A, %mul3A_269 : vector<16xi32>
        %add3A_271 = arith.constant 10 : i32
        %add3A_272 = vector.broadcast %add3A_271 : i32 to vector<16xi32>
        %add3A_273 = arith.addi %mul3A_270, %add3A_272 : vector<16xi32>
        tpu.vector_store_idx %arg11[%add3A_160, %add3A_273], %gather3A_267 : memref<128x32xf32, #tpu.memory_space<vmem>>[vector<16xi32>, vector<16xi32>], vector<16xf32>,
        %add3A_274 = arith.constant 11 : i32
        %add3A_275 = vector.broadcast %add3A_274 : i32 to vector<16xi32>
        %add3A_276 = arith.addi %get3A_164, %add3A_275 : vector<16xi32>
        %gather3A_277 = tpu.vector_load_idx %arg9[%add3A_160, %add3A_276] : memref<128x128xf32, #tpu.memory_space<vmem>>[vector<16xi32>, vector<16xi32>], vector<16xf32>,
        %mul3A_278 = arith.constant 0 : i32
        %mul3A_279 = vector.broadcast %mul3A_278 : i32 to vector<16xi32>
        %mul3A_280 = arith.muli %iota3A, %mul3A_279 : vector<16xi32>
        %add3A_281 = arith.constant 11 : i32
        %add3A_282 = vector.broadcast %add3A_281 : i32 to vector<16xi32>
        %add3A_283 = arith.addi %mul3A_280, %add3A_282 : vector<16xi32>
        tpu.vector_store_idx %arg11[%add3A_160, %add3A_283], %gather3A_277 : memref<128x32xf32, #tpu.memory_space<vmem>>[vector<16xi32>, vector<16xi32>], vector<16xf32>,
        %add3A_284 = arith.constant 12 : i32
        %add3A_285 = vector.broadcast %add3A_284 : i32 to vector<16xi32>
        %add3A_286 = arith.addi %get3A_164, %add3A_285 : vector<16xi32>
        %gather3A_287 = tpu.vector_load_idx %arg9[%add3A_160, %add3A_286] : memref<128x128xf32, #tpu.memory_space<vmem>>[vector<16xi32>, vector<16xi32>], vector<16xf32>,
        %mul3A_288 = arith.constant 0 : i32
        %mul3A_289 = vector.broadcast %mul3A_288 : i32 to vector<16xi32>
        %mul3A_290 = arith.muli %iota3A, %mul3A_289 : vector<16xi32>
        %add3A_291 = arith.constant 12 : i32
        %add3A_292 = vector.broadcast %add3A_291 : i32 to vector<16xi32>
        %add3A_293 = arith.addi %mul3A_290, %add3A_292 : vector<16xi32>
        tpu.vector_store_idx %arg11[%add3A_160, %add3A_293], %gather3A_287 : memref<128x32xf32, #tpu.memory_space<vmem>>[vector<16xi32>, vector<16xi32>], vector<16xf32>,
        %add3A_294 = arith.constant 13 : i32
        %add3A_295 = vector.broadcast %add3A_294 : i32 to vector<16xi32>
        %add3A_296 = arith.addi %get3A_164, %add3A_295 : vector<16xi32>
        %gather3A_297 = tpu.vector_load_idx %arg9[%add3A_160, %add3A_296] : memref<128x128xf32, #tpu.memory_space<vmem>>[vector<16xi32>, vector<16xi32>], vector<16xf32>,
        %mul3A_298 = arith.constant 0 : i32
        %mul3A_299 = vector.broadcast %mul3A_298 : i32 to vector<16xi32>
        %mul3A_300 = arith.muli %iota3A, %mul3A_299 : vector<16xi32>
        %add3A_301 = arith.constant 13 : i32
        %add3A_302 = vector.broadcast %add3A_301 : i32 to vector<16xi32>
        %add3A_303 = arith.addi %mul3A_300, %add3A_302 : vector<16xi32>
        tpu.vector_store_idx %arg11[%add3A_160, %add3A_303], %gather3A_297 : memref<128x32xf32, #tpu.memory_space<vmem>>[vector<16xi32>, vector<16xi32>], vector<16xf32>,
        %add3A_304 = arith.constant 14 : i32
        %add3A_305 = vector.broadcast %add3A_304 : i32 to vector<16xi32>
        %add3A_306 = arith.addi %get3A_164, %add3A_305 : vector<16xi32>
        %gather3A_307 = tpu.vector_load_idx %arg9[%add3A_160, %add3A_306] : memref<128x128xf32, #tpu.memory_space<vmem>>[vector<16xi32>, vector<16xi32>], vector<16xf32>,
        %mul3A_308 = arith.constant 0 : i32
        %mul3A_309 = vector.broadcast %mul3A_308 : i32 to vector<16xi32>
        %mul3A_310 = arith.muli %iota3A, %mul3A_309 : vector<16xi32>
        %add3A_311 = arith.constant 14 : i32
        %add3A_312 = vector.broadcast %add3A_311 : i32 to vector<16xi32>
        %add3A_313 = arith.addi %mul3A_310, %add3A_312 : vector<16xi32>
        tpu.vector_store_idx %arg11[%add3A_160, %add3A_313], %gather3A_307 : memref<128x32xf32, #tpu.memory_space<vmem>>[vector<16xi32>, vector<16xi32>], vector<16xf32>,
        %add3A_314 = arith.constant 15 : i32
        %add3A_315 = vector.broadcast %add3A_314 : i32 to vector<16xi32>
        %add3A_316 = arith.addi %get3A_164, %add3A_315 : vector<16xi32>
        %gather3A_317 = tpu.vector_load_idx %arg9[%add3A_160, %add3A_316] : memref<128x128xf32, #tpu.memory_space<vmem>>[vector<16xi32>, vector<16xi32>], vector<16xf32>,
        %mul3A_318 = arith.constant 0 : i32
        %mul3A_319 = vector.broadcast %mul3A_318 : i32 to vector<16xi32>
        %mul3A_320 = arith.muli %iota3A, %mul3A_319 : vector<16xi32>
        %add3A_321 = arith.constant 15 : i32
        %add3A_322 = vector.broadcast %add3A_321 : i32 to vector<16xi32>
        %add3A_323 = arith.addi %mul3A_320, %add3A_322 : vector<16xi32>
        tpu.vector_store_idx %arg11[%add3A_160, %add3A_323], %gather3A_317 : memref<128x32xf32, #tpu.memory_space<vmem>>[vector<16xi32>, vector<16xi32>], vector<16xf32>,
        %add3A_324 = arith.constant 16 : i32
        %add3A_325 = vector.broadcast %add3A_324 : i32 to vector<16xi32>
        %add3A_326 = arith.addi %get3A_164, %add3A_325 : vector<16xi32>
        %gather3A_327 = tpu.vector_load_idx %arg9[%add3A_160, %add3A_326] : memref<128x128xf32, #tpu.memory_space<vmem>>[vector<16xi32>, vector<16xi32>], vector<16xf32>,
        %mul3A_328 = arith.constant 0 : i32
        %mul3A_329 = vector.broadcast %mul3A_328 : i32 to vector<16xi32>
        %mul3A_330 = arith.muli %iota3A, %mul3A_329 : vector<16xi32>
        %add3A_331 = arith.constant 16 : i32
        %add3A_332 = vector.broadcast %add3A_331 : i32 to vector<16xi32>
        %add3A_333 = arith.addi %mul3A_330, %add3A_332 : vector<16xi32>
        tpu.vector_store_idx %arg11[%add3A_160, %add3A_333], %gather3A_327 : memref<128x32xf32, #tpu.memory_space<vmem>>[vector<16xi32>, vector<16xi32>], vector<16xf32>,
        %add3A_334 = arith.constant 17 : i32
        %add3A_335 = vector.broadcast %add3A_334 : i32 to vector<16xi32>
        %add3A_336 = arith.addi %get3A_164, %add3A_335 : vector<16xi32>
        %gather3A_337 = tpu.vector_load_idx %arg9[%add3A_160, %add3A_336] : memref<128x128xf32, #tpu.memory_space<vmem>>[vector<16xi32>, vector<16xi32>], vector<16xf32>,
        %mul3A_338 = arith.constant 0 : i32
        %mul3A_339 = vector.broadcast %mul3A_338 : i32 to vector<16xi32>
        %mul3A_340 = arith.muli %iota3A, %mul3A_339 : vector<16xi32>
        %add3A_341 = arith.constant 17 : i32
        %add3A_342 = vector.broadcast %add3A_341 : i32 to vector<16xi32>
        %add3A_343 = arith.addi %mul3A_340, %add3A_342 : vector<16xi32>
        tpu.vector_store_idx %arg11[%add3A_160, %add3A_343], %gather3A_337 : memref<128x32xf32, #tpu.memory_space<vmem>>[vector<16xi32>, vector<16xi32>], vector<16xf32>,
        %add3A_344 = arith.constant 18 : i32
        %add3A_345 = vector.broadcast %add3A_344 : i32 to vector<16xi32>
        %add3A_346 = arith.addi %get3A_164, %add3A_345 : vector<16xi32>
        %gather3A_347 = tpu.vector_load_idx %arg9[%add3A_160, %add3A_346] : memref<128x128xf32, #tpu.memory_space<vmem>>[vector<16xi32>, vector<16xi32>], vector<16xf32>,
        %mul3A_348 = arith.constant 0 : i32
        %mul3A_349 = vector.broadcast %mul3A_348 : i32 to vector<16xi32>
        %mul3A_350 = arith.muli %iota3A, %mul3A_349 : vector<16xi32>
        %add3A_351 = arith.constant 18 : i32
        %add3A_352 = vector.broadcast %add3A_351 : i32 to vector<16xi32>
        %add3A_353 = arith.addi %mul3A_350, %add3A_352 : vector<16xi32>
        tpu.vector_store_idx %arg11[%add3A_160, %add3A_353], %gather3A_347 : memref<128x32xf32, #tpu.memory_space<vmem>>[vector<16xi32>, vector<16xi32>], vector<16xf32>,
        %add3A_354 = arith.constant 19 : i32
        %add3A_355 = vector.broadcast %add3A_354 : i32 to vector<16xi32>
        %add3A_356 = arith.addi %get3A_164, %add3A_355 : vector<16xi32>
        %gather3A_357 = tpu.vector_load_idx %arg9[%add3A_160, %add3A_356] : memref<128x128xf32, #tpu.memory_space<vmem>>[vector<16xi32>, vector<16xi32>], vector<16xf32>,
        %mul3A_358 = arith.constant 0 : i32
        %mul3A_359 = vector.broadcast %mul3A_358 : i32 to vector<16xi32>
        %mul3A_360 = arith.muli %iota3A, %mul3A_359 : vector<16xi32>
        %add3A_361 = arith.constant 19 : i32
        %add3A_362 = vector.broadcast %add3A_361 : i32 to vector<16xi32>
        %add3A_363 = arith.addi %mul3A_360, %add3A_362 : vector<16xi32>
        tpu.vector_store_idx %arg11[%add3A_160, %add3A_363], %gather3A_357 : memref<128x32xf32, #tpu.memory_space<vmem>>[vector<16xi32>, vector<16xi32>], vector<16xf32>,
        %add3A_364 = arith.constant 20 : i32
        %add3A_365 = vector.broadcast %add3A_364 : i32 to vector<16xi32>
        %add3A_366 = arith.addi %get3A_164, %add3A_365 : vector<16xi32>
        %gather3A_367 = tpu.vector_load_idx %arg9[%add3A_160, %add3A_366] : memref<128x128xf32, #tpu.memory_space<vmem>>[vector<16xi32>, vector<16xi32>], vector<16xf32>,
        %mul3A_368 = arith.constant 0 : i32
        %mul3A_369 = vector.broadcast %mul3A_368 : i32 to vector<16xi32>
        %mul3A_370 = arith.muli %iota3A, %mul3A_369 : vector<16xi32>
        %add3A_371 = arith.constant 20 : i32
        %add3A_372 = vector.broadcast %add3A_371 : i32 to vector<16xi32>
        %add3A_373 = arith.addi %mul3A_370, %add3A_372 : vector<16xi32>
        tpu.vector_store_idx %arg11[%add3A_160, %add3A_373], %gather3A_367 : memref<128x32xf32, #tpu.memory_space<vmem>>[vector<16xi32>, vector<16xi32>], vector<16xf32>,
        %add3A_374 = arith.constant 21 : i32
        %add3A_375 = vector.broadcast %add3A_374 : i32 to vector<16xi32>
        %add3A_376 = arith.addi %get3A_164, %add3A_375 : vector<16xi32>
        %gather3A_377 = tpu.vector_load_idx %arg9[%add3A_160, %add3A_376] : memref<128x128xf32, #tpu.memory_space<vmem>>[vector<16xi32>, vector<16xi32>], vector<16xf32>,
        %mul3A_378 = arith.constant 0 : i32
        %mul3A_379 = vector.broadcast %mul3A_378 : i32 to vector<16xi32>
        %mul3A_380 = arith.muli %iota3A, %mul3A_379 : vector<16xi32>
        %add3A_381 = arith.constant 21 : i32
        %add3A_382 = vector.broadcast %add3A_381 : i32 to vector<16xi32>
        %add3A_383 = arith.addi %mul3A_380, %add3A_382 : vector<16xi32>
        tpu.vector_store_idx %arg11[%add3A_160, %add3A_383], %gather3A_377 : memref<128x32xf32, #tpu.memory_space<vmem>>[vector<16xi32>, vector<16xi32>], vector<16xf32>,
        %add3A_384 = arith.constant 22 : i32
        %add3A_385 = vector.broadcast %add3A_384 : i32 to vector<16xi32>
        %add3A_386 = arith.addi %get3A_164, %add3A_385 : vector<16xi32>
        %gather3A_387 = tpu.vector_load_idx %arg9[%add3A_160, %add3A_386] : memref<128x128xf32, #tpu.memory_space<vmem>>[vector<16xi32>, vector<16xi32>], vector<16xf32>,
        %mul3A_388 = arith.constant 0 : i32
        %mul3A_389 = vector.broadcast %mul3A_388 : i32 to vector<16xi32>
        %mul3A_390 = arith.muli %iota3A, %mul3A_389 : vector<16xi32>
        %add3A_391 = arith.constant 22 : i32
        %add3A_392 = vector.broadcast %add3A_391 : i32 to vector<16xi32>
        %add3A_393 = arith.addi %mul3A_390, %add3A_392 : vector<16xi32>
        tpu.vector_store_idx %arg11[%add3A_160, %add3A_393], %gather3A_387 : memref<128x32xf32, #tpu.memory_space<vmem>>[vector<16xi32>, vector<16xi32>], vector<16xf32>,
        %add3A_394 = arith.constant 23 : i32
        %add3A_395 = vector.broadcast %add3A_394 : i32 to vector<16xi32>
        %add3A_396 = arith.addi %get3A_164, %add3A_395 : vector<16xi32>
        %gather3A_397 = tpu.vector_load_idx %arg9[%add3A_160, %add3A_396] : memref<128x128xf32, #tpu.memory_space<vmem>>[vector<16xi32>, vector<16xi32>], vector<16xf32>,
        %mul3A_398 = arith.constant 0 : i32
        %mul3A_399 = vector.broadcast %mul3A_398 : i32 to vector<16xi32>
        %mul3A_400 = arith.muli %iota3A, %mul3A_399 : vector<16xi32>
        %add3A_401 = arith.constant 23 : i32
        %add3A_402 = vector.broadcast %add3A_401 : i32 to vector<16xi32>
        %add3A_403 = arith.addi %mul3A_400, %add3A_402 : vector<16xi32>
        tpu.vector_store_idx %arg11[%add3A_160, %add3A_403], %gather3A_397 : memref<128x32xf32, #tpu.memory_space<vmem>>[vector<16xi32>, vector<16xi32>], vector<16xf32>,
        %add3A_404 = arith.constant 24 : i32
        %add3A_405 = vector.broadcast %add3A_404 : i32 to vector<16xi32>
        %add3A_406 = arith.addi %get3A_164, %add3A_405 : vector<16xi32>
        %gather3A_407 = tpu.vector_load_idx %arg9[%add3A_160, %add3A_406] : memref<128x128xf32, #tpu.memory_space<vmem>>[vector<16xi32>, vector<16xi32>], vector<16xf32>,
        %mul3A_408 = arith.constant 0 : i32
        %mul3A_409 = vector.broadcast %mul3A_408 : i32 to vector<16xi32>
        %mul3A_410 = arith.muli %iota3A, %mul3A_409 : vector<16xi32>
        %add3A_411 = arith.constant 24 : i32
        %add3A_412 = vector.broadcast %add3A_411 : i32 to vector<16xi32>
        %add3A_413 = arith.addi %mul3A_410, %add3A_412 : vector<16xi32>
        tpu.vector_store_idx %arg11[%add3A_160, %add3A_413], %gather3A_407 : memref<128x32xf32, #tpu.memory_space<vmem>>[vector<16xi32>, vector<16xi32>], vector<16xf32>,
        %add3A_414 = arith.constant 25 : i32
        %add3A_415 = vector.broadcast %add3A_414 : i32 to vector<16xi32>
        %add3A_416 = arith.addi %get3A_164, %add3A_415 : vector<16xi32>
        %gather3A_417 = tpu.vector_load_idx %arg9[%add3A_160, %add3A_416] : memref<128x128xf32, #tpu.memory_space<vmem>>[vector<16xi32>, vector<16xi32>], vector<16xf32>,
        %mul3A_418 = arith.constant 0 : i32
        %mul3A_419 = vector.broadcast %mul3A_418 : i32 to vector<16xi32>
        %mul3A_420 = arith.muli %iota3A, %mul3A_419 : vector<16xi32>
        %add3A_421 = arith.constant 25 : i32
        %add3A_422 = vector.broadcast %add3A_421 : i32 to vector<16xi32>
        %add3A_423 = arith.addi %mul3A_420, %add3A_422 : vector<16xi32>
        tpu.vector_store_idx %arg11[%add3A_160, %add3A_423], %gather3A_417 : memref<128x32xf32, #tpu.memory_space<vmem>>[vector<16xi32>, vector<16xi32>], vector<16xf32>,
        %add3A_424 = arith.constant 26 : i32
        %add3A_425 = vector.broadcast %add3A_424 : i32 to vector<16xi32>
        %add3A_426 = arith.addi %get3A_164, %add3A_425 : vector<16xi32>
        %gather3A_427 = tpu.vector_load_idx %arg9[%add3A_160, %add3A_426] : memref<128x128xf32, #tpu.memory_space<vmem>>[vector<16xi32>, vector<16xi32>], vector<16xf32>,
        %mul3A_428 = arith.constant 0 : i32
        %mul3A_429 = vector.broadcast %mul3A_428 : i32 to vector<16xi32>
        %mul3A_430 = arith.muli %iota3A, %mul3A_429 : vector<16xi32>
        %add3A_431 = arith.constant 26 : i32
        %add3A_432 = vector.broadcast %add3A_431 : i32 to vector<16xi32>
        %add3A_433 = arith.addi %mul3A_430, %add3A_432 : vector<16xi32>
        tpu.vector_store_idx %arg11[%add3A_160, %add3A_433], %gather3A_427 : memref<128x32xf32, #tpu.memory_space<vmem>>[vector<16xi32>, vector<16xi32>], vector<16xf32>,
        %add3A_434 = arith.constant 27 : i32
        %add3A_435 = vector.broadcast %add3A_434 : i32 to vector<16xi32>
        %add3A_436 = arith.addi %get3A_164, %add3A_435 : vector<16xi32>
        %gather3A_437 = tpu.vector_load_idx %arg9[%add3A_160, %add3A_436] : memref<128x128xf32, #tpu.memory_space<vmem>>[vector<16xi32>, vector<16xi32>], vector<16xf32>,
        %mul3A_438 = arith.constant 0 : i32
        %mul3A_439 = vector.broadcast %mul3A_438 : i32 to vector<16xi32>
        %mul3A_440 = arith.muli %iota3A, %mul3A_439 : vector<16xi32>
        %add3A_441 = arith.constant 27 : i32
        %add3A_442 = vector.broadcast %add3A_441 : i32 to vector<16xi32>
        %add3A_443 = arith.addi %mul3A_440, %add3A_442 : vector<16xi32>
        tpu.vector_store_idx %arg11[%add3A_160, %add3A_443], %gather3A_437 : memref<128x32xf32, #tpu.memory_space<vmem>>[vector<16xi32>, vector<16xi32>], vector<16xf32>,
        %add3A_444 = arith.constant 28 : i32
        %add3A_445 = vector.broadcast %add3A_444 : i32 to vector<16xi32>
        %add3A_446 = arith.addi %get3A_164, %add3A_445 : vector<16xi32>
        %gather3A_447 = tpu.vector_load_idx %arg9[%add3A_160, %add3A_446] : memref<128x128xf32, #tpu.memory_space<vmem>>[vector<16xi32>, vector<16xi32>], vector<16xf32>,
        %mul3A_448 = arith.constant 0 : i32
        %mul3A_449 = vector.broadcast %mul3A_448 : i32 to vector<16xi32>
        %mul3A_450 = arith.muli %iota3A, %mul3A_449 : vector<16xi32>
        %add3A_451 = arith.constant 28 : i32
        %add3A_452 = vector.broadcast %add3A_451 : i32 to vector<16xi32>
        %add3A_453 = arith.addi %mul3A_450, %add3A_452 : vector<16xi32>
        tpu.vector_store_idx %arg11[%add3A_160, %add3A_453], %gather3A_447 : memref<128x32xf32, #tpu.memory_space<vmem>>[vector<16xi32>, vector<16xi32>], vector<16xf32>,
        %add3A_454 = arith.constant 29 : i32
        %add3A_455 = vector.broadcast %add3A_454 : i32 to vector<16xi32>
        %add3A_456 = arith.addi %get3A_164, %add3A_455 : vector<16xi32>
        %gather3A_457 = tpu.vector_load_idx %arg9[%add3A_160, %add3A_456] : memref<128x128xf32, #tpu.memory_space<vmem>>[vector<16xi32>, vector<16xi32>], vector<16xf32>,
        %mul3A_458 = arith.constant 0 : i32
        %mul3A_459 = vector.broadcast %mul3A_458 : i32 to vector<16xi32>
        %mul3A_460 = arith.muli %iota3A, %mul3A_459 : vector<16xi32>
        %add3A_461 = arith.constant 29 : i32
        %add3A_462 = vector.broadcast %add3A_461 : i32 to vector<16xi32>
        %add3A_463 = arith.addi %mul3A_460, %add3A_462 : vector<16xi32>
        tpu.vector_store_idx %arg11[%add3A_160, %add3A_463], %gather3A_457 : memref<128x32xf32, #tpu.memory_space<vmem>>[vector<16xi32>, vector<16xi32>], vector<16xf32>,
        %add3A_464 = arith.constant 30 : i32
        %add3A_465 = vector.broadcast %add3A_464 : i32 to vector<16xi32>
        %add3A_466 = arith.addi %get3A_164, %add3A_465 : vector<16xi32>
        %gather3A_467 = tpu.vector_load_idx %arg9[%add3A_160, %add3A_466] : memref<128x128xf32, #tpu.memory_space<vmem>>[vector<16xi32>, vector<16xi32>], vector<16xf32>,
        %mul3A_468 = arith.constant 0 : i32
        %mul3A_469 = vector.broadcast %mul3A_468 : i32 to vector<16xi32>
        %mul3A_470 = arith.muli %iota3A, %mul3A_469 : vector<16xi32>
        %add3A_471 = arith.constant 30 : i32
        %add3A_472 = vector.broadcast %add3A_471 : i32 to vector<16xi32>
        %add3A_473 = arith.addi %mul3A_470, %add3A_472 : vector<16xi32>
        tpu.vector_store_idx %arg11[%add3A_160, %add3A_473], %gather3A_467 : memref<128x32xf32, #tpu.memory_space<vmem>>[vector<16xi32>, vector<16xi32>], vector<16xf32>,
        %add3A_474 = arith.constant 31 : i32
        %add3A_475 = vector.broadcast %add3A_474 : i32 to vector<16xi32>
        %add3A_476 = arith.addi %get3A_164, %add3A_475 : vector<16xi32>
        %gather3A_477 = tpu.vector_load_idx %arg9[%add3A_160, %add3A_476] : memref<128x128xf32, #tpu.memory_space<vmem>>[vector<16xi32>, vector<16xi32>], vector<16xf32>,
        %mul3A_478 = arith.constant 0 : i32
        %mul3A_479 = vector.broadcast %mul3A_478 : i32 to vector<16xi32>
        %mul3A_480 = arith.muli %iota3A, %mul3A_479 : vector<16xi32>
        %add3A_481 = arith.constant 31 : i32
        %add3A_482 = vector.broadcast %add3A_481 : i32 to vector<16xi32>
        %add3A_483 = arith.addi %mul3A_480, %add3A_482 : vector<16xi32>
        tpu.vector_store_idx %arg11[%add3A_160, %add3A_483], %gather3A_477 : memref<128x32xf32, #tpu.memory_space<vmem>>[vector<16xi32>, vector<16xi32>], vector<16xf32>,
      }
      %scan3A_97 = arith.constant 8 : i32
      %mul3A_98 = arith.constant 128 : i32
      %mul3A_99 = arith.muli %mul3A_44, %mul3A_98 : i32
      %add3A_100 = arith.addi %mul3A_2, %mul3A_99 : i32
      %dma_start3A_101 = arith.constant 0 : i32
      %dma_start3A_102 = tpu.memref_slice %arg5[%add3A_100, %dma_start3A_101] : memref<425984x32xf32, #tpu.memory_space<hbm>> -> memref<128x32xf32, #tpu.memory_space<hbm>>
      %dma_start3A_103 = arith.constant 0 : i32
      %dma_start3A_104 = tpu.memref_slice %arg5[%add3A_100, %dma_start3A_103] : memref<425984x32xf32, #tpu.memory_space<hbm>> -> memref<128x32xf32, #tpu.memory_space<hbm>>
      tpu.enqueue_dma source(%arg11 : memref<128x32xf32, #tpu.memory_space<vmem>>) target(%dma_start3A_104 : memref<128x32xf32, #tpu.memory_space<hbm>>) target_semaphore(%arg15 : memref<!tpu.dma_semaphore, #tpu.memory_space<semaphore_mem>>)
      %add3A_105 = arith.constant 1 : i32
      %add3A_106 = arith.addi %add3A_42, %add3A_105 : i32
      %lt3A = arith.constant 52 : i32
      %lt3A_107 = arith.cmpi slt, %add3A_106, %lt3A : i32
      %convert_element_type3A_108 = arith.extui %lt3A_107 : i1 to i32
      %cond3A_109 = arith.constant 0 : i32
      %cond3A_110 = arith.cmpi ne, %convert_element_type3A_108, %cond3A_109 : i32
      scf.if %cond3A_110 {
        %add3A_154 = arith.constant 2 : i32
        %add3A_155 = arith.addi %mul3A_44, %add3A_154 : i32
        %mul3A_156 = arith.constant 128 : i32
        %mul3A_157 = arith.muli %add3A_155, %mul3A_156 : i32
        %dma_start3A_158 = arith.constant 0 : i32
        %dma_start3A_159 = arith.constant 0 : i32
        %dma_start3A_160 = tpu.memref_slice %arg9[%dma_start3A_158, %dma_start3A_159] : memref<128x128xf32, #tpu.memory_space<vmem>> -> memref<64x128xf32, #tpu.memory_space<vmem>>
        %dma_start3A_161 = tpu.memref_slice %arg6[%mul3A_157] : memref<13312xi32, #tpu.memory_space<vmem>> -> memref<64xi32, #tpu.memory_space<vmem>>
        %dma_start3A_162 = arith.constant 0 : i32
        %dma_start3A_163 = arith.constant 0 : i32
        %dma_start3A_164 = tpu.memref_slice %arg2[%dma_start3A_162, %dma_start3A_163] : memref<650000x128xf32, #tpu.memory_space<hbm>> -> memref<650000x128xf32, #tpu.memory_space<hbm>>
        tpu.enqueue_indirect_dma source(%dma_start3A_164 : memref<650000x128xf32, #tpu.memory_space<hbm>>) target(%dma_start3A_160 : memref<64x128xf32, #tpu.memory_space<vmem>>) offsets(%dma_start3A_161 : memref<64xi32, #tpu.memory_space<vmem>>) semaphore(%arg13 : memref<!tpu.dma_semaphore, #tpu.memory_space<semaphore_mem>>)
        %mul3A_165 = arith.constant 128 : i32
        %mul3A_166 = arith.muli %add3A_155, %mul3A_165 : i32
        %add3A_167 = arith.constant 64 : i32
        %add3A_168 = arith.addi %mul3A_166, %add3A_167 : i32
        %dma_start3A_169 = arith.constant 64 : i32
        %dma_start3A_170 = arith.constant 0 : i32
        %dma_start3A_171 = tpu.memref_slice %arg9[%dma_start3A_169, %dma_start3A_170] : memref<128x128xf32, #tpu.memory_space<vmem>> -> memref<64x128xf32, #tpu.memory_space<vmem>>
        %dma_start3A_172 = tpu.memref_slice %arg6[%add3A_168] : memref<13312xi32, #tpu.memory_space<vmem>> -> memref<64xi32, #tpu.memory_space<vmem>>
        %dma_start3A_173 = arith.constant 0 : i32
        %dma_start3A_174 = arith.constant 0 : i32
        %dma_start3A_175 = tpu.memref_slice %arg2[%dma_start3A_173, %dma_start3A_174] : memref<650000x128xf32, #tpu.memory_space<hbm>> -> memref<650000x128xf32, #tpu.memory_space<hbm>>
        tpu.enqueue_indirect_dma source(%dma_start3A_175 : memref<650000x128xf32, #tpu.memory_space<hbm>>) target(%dma_start3A_171 : memref<64x128xf32, #tpu.memory_space<vmem>>) offsets(%dma_start3A_172 : memref<64xi32, #tpu.memory_space<vmem>>) semaphore(%arg13 : memref<!tpu.dma_semaphore, #tpu.memory_space<semaphore_mem>>)
      } else {
      }
      %dma_wait3A_111 = arith.constant 0 : i32
      %dma_wait3A_112 = arith.constant 0 : i32
      %dma_wait3A_113 = tpu.memref_slice %arg10[%dma_wait3A_111, %dma_wait3A_112] : memref<128x128xf32, #tpu.memory_space<vmem>> -> memref<64x128xf32, #tpu.memory_space<vmem>>
      %dma_wait3A_114 = arith.constant 0 : i32
      %dma_wait3A_115 = arith.constant 0 : i32
      %dma_wait3A_116 = tpu.memref_slice %arg2[%dma_wait3A_114, %dma_wait3A_115] : memref<650000x128xf32, #tpu.memory_space<hbm>> -> memref<64x128xf32, #tpu.memory_space<hbm>>
      %dma_wait3A_117 = arith.constant 0 : i32
      %dma_wait3A_118 = arith.constant 0 : i32
      %dma_wait3A_119 = tpu.memref_slice %arg10[%dma_wait3A_117, %dma_wait3A_118] : memref<128x128xf32, #tpu.memory_space<vmem>> -> memref<64x128xf32, #tpu.memory_space<vmem>>
      %dma_wait3A_120 = arith.constant 0 : i32
      %dma_wait3A_121 = arith.constant 0 : i32
      %dma_wait3A_122 = tpu.memref_slice %arg2[%dma_wait3A_120, %dma_wait3A_121] : memref<650000x128xf32, #tpu.memory_space<hbm>> -> memref<64x128xf32, #tpu.memory_space<hbm>>
      tpu.wait_dma2 semaphore(%arg14 : memref<!tpu.dma_semaphore, #tpu.memory_space<semaphore_mem>>) src(%dma_wait3A_122 : memref<64x128xf32, #tpu.memory_space<hbm>>) dst(%dma_wait3A_119 : memref<64x128xf32, #tpu.memory_space<vmem>>)
      %dma_wait3A_123 = arith.constant 64 : i32
      %dma_wait3A_124 = arith.constant 0 : i32
      %dma_wait3A_125 = tpu.memref_slice %arg10[%dma_wait3A_123, %dma_wait3A_124] : memref<128x128xf32, #tpu.memory_space<vmem>> -> memref<64x128xf32, #tpu.memory_space<vmem>>
      %dma_wait3A_126 = arith.constant 0 : i32
      %dma_wait3A_127 = arith.constant 0 : i32
      %dma_wait3A_128 = tpu.memref_slice %arg2[%dma_wait3A_126, %dma_wait3A_127] : memref<650000x128xf32, #tpu.memory_space<hbm>> -> memref<64x128xf32, #tpu.memory_space<hbm>>
      %dma_wait3A_129 = arith.constant 64 : i32
      %dma_wait3A_130 = arith.constant 0 : i32
      %dma_wait3A_131 = tpu.memref_slice %arg10[%dma_wait3A_129, %dma_wait3A_130] : memref<128x128xf32, #tpu.memory_space<vmem>> -> memref<64x128xf32, #tpu.memory_space<vmem>>
      %dma_wait3A_132 = arith.constant 0 : i32
      %dma_wait3A_133 = arith.constant 0 : i32
      %dma_wait3A_134 = tpu.memref_slice %arg2[%dma_wait3A_132, %dma_wait3A_133] : memref<650000x128xf32, #tpu.memory_space<hbm>> -> memref<64x128xf32, #tpu.memory_space<hbm>>
      tpu.wait_dma2 semaphore(%arg14 : memref<!tpu.dma_semaphore, #tpu.memory_space<semaphore_mem>>) src(%dma_wait3A_134 : memref<64x128xf32, #tpu.memory_space<hbm>>) dst(%dma_wait3A_131 : memref<64x128xf32, #tpu.memory_space<vmem>>)
      %add3A_135 = arith.constant 1 : i32
      %add3A_136 = arith.addi %mul3A_44, %add3A_135 : i32
      %gt3A_137 = arith.constant 0 : i32
      %gt3A_138 = arith.cmpi sgt, %add3A_42, %gt3A_137 : i32
      %convert_element_type3A_139 = arith.extui %gt3A_138 : i1 to i32
      %cond3A_140 = arith.constant 0 : i32
      %cond3A_141 = arith.cmpi ne, %convert_element_type3A_139, %cond3A_140 : i32
      scf.if %cond3A_141 {
        %dma_wait3A_154 = arith.constant 0 : i32
        %dma_wait3A_155 = arith.constant 0 : i32
        %dma_wait3A_156 = tpu.memref_slice %arg5[%dma_wait3A_154, %dma_wait3A_155] : memref<425984x32xf32, #tpu.memory_space<hbm>> -> memref<128x32xf32, #tpu.memory_space<hbm>>
        %dma_wait3A_157 = arith.constant 0 : i32
        %dma_wait3A_158 = arith.constant 0 : i32
        %dma_wait3A_159 = tpu.memref_slice %arg5[%dma_wait3A_157, %dma_wait3A_158] : memref<425984x32xf32, #tpu.memory_space<hbm>> -> memref<128x32xf32, #tpu.memory_space<hbm>>
        tpu.wait_dma2 semaphore(%arg16 : memref<!tpu.dma_semaphore, #tpu.memory_space<semaphore_mem>>) src(%arg12 : memref<128x32xf32, #tpu.memory_space<vmem>>) dst(%dma_wait3A_159 : memref<128x32xf32, #tpu.memory_space<hbm>>)
      } else {
      }
      %scan3A_142 = arith.constant 0 : i32
      %scan3A_143 = arith.constant 8 : i32
      %scan3A_144 = arith.addi %scan3A_142, %scan3A_143 : i32
      %scan3A_145 = arith.constant 1 : i32
      scf.for %scan3A_154 = %scan3A_142 to %scan3A_144 step %scan3A_145  : i32 {
        %mul3A_155 = arith.constant 16 : i32
        %mul3A_156 = arith.muli %scan3A_154, %mul3A_155 : i32
        %add3A_157 = arith.constant 0 : i32
        %add3A_158 = arith.addi %add3A_157, %mul3A_156 : i32
        %add3A_159 = vector.broadcast %add3A_158 : i32 to vector<16xi32>
        %add3A_160 = arith.addi %add3A_159, %iota3A : vector<16xi32>
        %mul3A_161 = arith.constant 128 : i32
        %mul3A_162 = arith.muli %add3A_136, %mul3A_161 : i32
        %add3A_163 = arith.addi %mul3A_162, %add3A_158 : i32
        %get3A = arith.index_cast %add3A_163 : i32 to index
        %get3A_164 = tpu.vector_load %arg8[%get3A] {strides = array<i32>} : memref<13312xi32, #tpu.memory_space<vmem>>, vector<16xi32>,
        %add3A_165 = arith.constant 0 : i32
        %add3A_166 = vector.broadcast %add3A_165 : i32 to vector<16xi32>
        %add3A_167 = arith.addi %get3A_164, %add3A_166 : vector<16xi32>
        %gather3A = tpu.vector_load_idx %arg10[%add3A_160, %add3A_167] : memref<128x128xf32, #tpu.memory_space<vmem>>[vector<16xi32>, vector<16xi32>], vector<16xf32>,
        %mul3A_168 = arith.constant 0 : i32
        %mul3A_169 = vector.broadcast %mul3A_168 : i32 to vector<16xi32>
        %mul3A_170 = arith.muli %iota3A, %mul3A_169 : vector<16xi32>
        %add3A_171 = arith.constant 0 : i32
        %add3A_172 = vector.broadcast %add3A_171 : i32 to vector<16xi32>
        %add3A_173 = arith.addi %mul3A_170, %add3A_172 : vector<16xi32>
        tpu.vector_store_idx %arg12[%add3A_160, %add3A_173], %gather3A : memref<128x32xf32, #tpu.memory_space<vmem>>[vector<16xi32>, vector<16xi32>], vector<16xf32>,
        %add3A_174 = arith.constant 1 : i32
        %add3A_175 = vector.broadcast %add3A_174 : i32 to vector<16xi32>
        %add3A_176 = arith.addi %get3A_164, %add3A_175 : vector<16xi32>
        %gather3A_177 = tpu.vector_load_idx %arg10[%add3A_160, %add3A_176] : memref<128x128xf32, #tpu.memory_space<vmem>>[vector<16xi32>, vector<16xi32>], vector<16xf32>,
        %mul3A_178 = arith.constant 0 : i32
        %mul3A_179 = vector.broadcast %mul3A_178 : i32 to vector<16xi32>
        %mul3A_180 = arith.muli %iota3A, %mul3A_179 : vector<16xi32>
        %add3A_181 = arith.constant 1 : i32
        %add3A_182 = vector.broadcast %add3A_181 : i32 to vector<16xi32>
        %add3A_183 = arith.addi %mul3A_180, %add3A_182 : vector<16xi32>
        tpu.vector_store_idx %arg12[%add3A_160, %add3A_183], %gather3A_177 : memref<128x32xf32, #tpu.memory_space<vmem>>[vector<16xi32>, vector<16xi32>], vector<16xf32>,
        %add3A_184 = arith.constant 2 : i32
        %add3A_185 = vector.broadcast %add3A_184 : i32 to vector<16xi32>
        %add3A_186 = arith.addi %get3A_164, %add3A_185 : vector<16xi32>
        %gather3A_187 = tpu.vector_load_idx %arg10[%add3A_160, %add3A_186] : memref<128x128xf32, #tpu.memory_space<vmem>>[vector<16xi32>, vector<16xi32>], vector<16xf32>,
        %mul3A_188 = arith.constant 0 : i32
        %mul3A_189 = vector.broadcast %mul3A_188 : i32 to vector<16xi32>
        %mul3A_190 = arith.muli %iota3A, %mul3A_189 : vector<16xi32>
        %add3A_191 = arith.constant 2 : i32
        %add3A_192 = vector.broadcast %add3A_191 : i32 to vector<16xi32>
        %add3A_193 = arith.addi %mul3A_190, %add3A_192 : vector<16xi32>
        tpu.vector_store_idx %arg12[%add3A_160, %add3A_193], %gather3A_187 : memref<128x32xf32, #tpu.memory_space<vmem>>[vector<16xi32>, vector<16xi32>], vector<16xf32>,
        %add3A_194 = arith.constant 3 : i32
        %add3A_195 = vector.broadcast %add3A_194 : i32 to vector<16xi32>
        %add3A_196 = arith.addi %get3A_164, %add3A_195 : vector<16xi32>
        %gather3A_197 = tpu.vector_load_idx %arg10[%add3A_160, %add3A_196] : memref<128x128xf32, #tpu.memory_space<vmem>>[vector<16xi32>, vector<16xi32>], vector<16xf32>,
        %mul3A_198 = arith.constant 0 : i32
        %mul3A_199 = vector.broadcast %mul3A_198 : i32 to vector<16xi32>
        %mul3A_200 = arith.muli %iota3A, %mul3A_199 : vector<16xi32>
        %add3A_201 = arith.constant 3 : i32
        %add3A_202 = vector.broadcast %add3A_201 : i32 to vector<16xi32>
        %add3A_203 = arith.addi %mul3A_200, %add3A_202 : vector<16xi32>
        tpu.vector_store_idx %arg12[%add3A_160, %add3A_203], %gather3A_197 : memref<128x32xf32, #tpu.memory_space<vmem>>[vector<16xi32>, vector<16xi32>], vector<16xf32>,
        %add3A_204 = arith.constant 4 : i32
        %add3A_205 = vector.broadcast %add3A_204 : i32 to vector<16xi32>
        %add3A_206 = arith.addi %get3A_164, %add3A_205 : vector<16xi32>
        %gather3A_207 = tpu.vector_load_idx %arg10[%add3A_160, %add3A_206] : memref<128x128xf32, #tpu.memory_space<vmem>>[vector<16xi32>, vector<16xi32>], vector<16xf32>,
        %mul3A_208 = arith.constant 0 : i32
        %mul3A_209 = vector.broadcast %mul3A_208 : i32 to vector<16xi32>
        %mul3A_210 = arith.muli %iota3A, %mul3A_209 : vector<16xi32>
        %add3A_211 = arith.constant 4 : i32
        %add3A_212 = vector.broadcast %add3A_211 : i32 to vector<16xi32>
        %add3A_213 = arith.addi %mul3A_210, %add3A_212 : vector<16xi32>
        tpu.vector_store_idx %arg12[%add3A_160, %add3A_213], %gather3A_207 : memref<128x32xf32, #tpu.memory_space<vmem>>[vector<16xi32>, vector<16xi32>], vector<16xf32>,
        %add3A_214 = arith.constant 5 : i32
        %add3A_215 = vector.broadcast %add3A_214 : i32 to vector<16xi32>
        %add3A_216 = arith.addi %get3A_164, %add3A_215 : vector<16xi32>
        %gather3A_217 = tpu.vector_load_idx %arg10[%add3A_160, %add3A_216] : memref<128x128xf32, #tpu.memory_space<vmem>>[vector<16xi32>, vector<16xi32>], vector<16xf32>,
        %mul3A_218 = arith.constant 0 : i32
        %mul3A_219 = vector.broadcast %mul3A_218 : i32 to vector<16xi32>
        %mul3A_220 = arith.muli %iota3A, %mul3A_219 : vector<16xi32>
        %add3A_221 = arith.constant 5 : i32
        %add3A_222 = vector.broadcast %add3A_221 : i32 to vector<16xi32>
        %add3A_223 = arith.addi %mul3A_220, %add3A_222 : vector<16xi32>
        tpu.vector_store_idx %arg12[%add3A_160, %add3A_223], %gather3A_217 : memref<128x32xf32, #tpu.memory_space<vmem>>[vector<16xi32>, vector<16xi32>], vector<16xf32>,
        %add3A_224 = arith.constant 6 : i32
        %add3A_225 = vector.broadcast %add3A_224 : i32 to vector<16xi32>
        %add3A_226 = arith.addi %get3A_164, %add3A_225 : vector<16xi32>
        %gather3A_227 = tpu.vector_load_idx %arg10[%add3A_160, %add3A_226] : memref<128x128xf32, #tpu.memory_space<vmem>>[vector<16xi32>, vector<16xi32>], vector<16xf32>,
        %mul3A_228 = arith.constant 0 : i32
        %mul3A_229 = vector.broadcast %mul3A_228 : i32 to vector<16xi32>
        %mul3A_230 = arith.muli %iota3A, %mul3A_229 : vector<16xi32>
        %add3A_231 = arith.constant 6 : i32
        %add3A_232 = vector.broadcast %add3A_231 : i32 to vector<16xi32>
        %add3A_233 = arith.addi %mul3A_230, %add3A_232 : vector<16xi32>
        tpu.vector_store_idx %arg12[%add3A_160, %add3A_233], %gather3A_227 : memref<128x32xf32, #tpu.memory_space<vmem>>[vector<16xi32>, vector<16xi32>], vector<16xf32>,
        %add3A_234 = arith.constant 7 : i32
        %add3A_235 = vector.broadcast %add3A_234 : i32 to vector<16xi32>
        %add3A_236 = arith.addi %get3A_164, %add3A_235 : vector<16xi32>
        %gather3A_237 = tpu.vector_load_idx %arg10[%add3A_160, %add3A_236] : memref<128x128xf32, #tpu.memory_space<vmem>>[vector<16xi32>, vector<16xi32>], vector<16xf32>,
        %mul3A_238 = arith.constant 0 : i32
        %mul3A_239 = vector.broadcast %mul3A_238 : i32 to vector<16xi32>
        %mul3A_240 = arith.muli %iota3A, %mul3A_239 : vector<16xi32>
        %add3A_241 = arith.constant 7 : i32
        %add3A_242 = vector.broadcast %add3A_241 : i32 to vector<16xi32>
        %add3A_243 = arith.addi %mul3A_240, %add3A_242 : vector<16xi32>
        tpu.vector_store_idx %arg12[%add3A_160, %add3A_243], %gather3A_237 : memref<128x32xf32, #tpu.memory_space<vmem>>[vector<16xi32>, vector<16xi32>], vector<16xf32>,
        %add3A_244 = arith.constant 8 : i32
        %add3A_245 = vector.broadcast %add3A_244 : i32 to vector<16xi32>
        %add3A_246 = arith.addi %get3A_164, %add3A_245 : vector<16xi32>
        %gather3A_247 = tpu.vector_load_idx %arg10[%add3A_160, %add3A_246] : memref<128x128xf32, #tpu.memory_space<vmem>>[vector<16xi32>, vector<16xi32>], vector<16xf32>,
        %mul3A_248 = arith.constant 0 : i32
        %mul3A_249 = vector.broadcast %mul3A_248 : i32 to vector<16xi32>
        %mul3A_250 = arith.muli %iota3A, %mul3A_249 : vector<16xi32>
        %add3A_251 = arith.constant 8 : i32
        %add3A_252 = vector.broadcast %add3A_251 : i32 to vector<16xi32>
        %add3A_253 = arith.addi %mul3A_250, %add3A_252 : vector<16xi32>
        tpu.vector_store_idx %arg12[%add3A_160, %add3A_253], %gather3A_247 : memref<128x32xf32, #tpu.memory_space<vmem>>[vector<16xi32>, vector<16xi32>], vector<16xf32>,
        %add3A_254 = arith.constant 9 : i32
        %add3A_255 = vector.broadcast %add3A_254 : i32 to vector<16xi32>
        %add3A_256 = arith.addi %get3A_164, %add3A_255 : vector<16xi32>
        %gather3A_257 = tpu.vector_load_idx %arg10[%add3A_160, %add3A_256] : memref<128x128xf32, #tpu.memory_space<vmem>>[vector<16xi32>, vector<16xi32>], vector<16xf32>,
        %mul3A_258 = arith.constant 0 : i32
        %mul3A_259 = vector.broadcast %mul3A_258 : i32 to vector<16xi32>
        %mul3A_260 = arith.muli %iota3A, %mul3A_259 : vector<16xi32>
        %add3A_261 = arith.constant 9 : i32
        %add3A_262 = vector.broadcast %add3A_261 : i32 to vector<16xi32>
        %add3A_263 = arith.addi %mul3A_260, %add3A_262 : vector<16xi32>
        tpu.vector_store_idx %arg12[%add3A_160, %add3A_263], %gather3A_257 : memref<128x32xf32, #tpu.memory_space<vmem>>[vector<16xi32>, vector<16xi32>], vector<16xf32>,
        %add3A_264 = arith.constant 10 : i32
        %add3A_265 = vector.broadcast %add3A_264 : i32 to vector<16xi32>
        %add3A_266 = arith.addi %get3A_164, %add3A_265 : vector<16xi32>
        %gather3A_267 = tpu.vector_load_idx %arg10[%add3A_160, %add3A_266] : memref<128x128xf32, #tpu.memory_space<vmem>>[vector<16xi32>, vector<16xi32>], vector<16xf32>,
        %mul3A_268 = arith.constant 0 : i32
        %mul3A_269 = vector.broadcast %mul3A_268 : i32 to vector<16xi32>
        %mul3A_270 = arith.muli %iota3A, %mul3A_269 : vector<16xi32>
        %add3A_271 = arith.constant 10 : i32
        %add3A_272 = vector.broadcast %add3A_271 : i32 to vector<16xi32>
        %add3A_273 = arith.addi %mul3A_270, %add3A_272 : vector<16xi32>
        tpu.vector_store_idx %arg12[%add3A_160, %add3A_273], %gather3A_267 : memref<128x32xf32, #tpu.memory_space<vmem>>[vector<16xi32>, vector<16xi32>], vector<16xf32>,
        %add3A_274 = arith.constant 11 : i32
        %add3A_275 = vector.broadcast %add3A_274 : i32 to vector<16xi32>
        %add3A_276 = arith.addi %get3A_164, %add3A_275 : vector<16xi32>
        %gather3A_277 = tpu.vector_load_idx %arg10[%add3A_160, %add3A_276] : memref<128x128xf32, #tpu.memory_space<vmem>>[vector<16xi32>, vector<16xi32>], vector<16xf32>,
        %mul3A_278 = arith.constant 0 : i32
        %mul3A_279 = vector.broadcast %mul3A_278 : i32 to vector<16xi32>
        %mul3A_280 = arith.muli %iota3A, %mul3A_279 : vector<16xi32>
        %add3A_281 = arith.constant 11 : i32
        %add3A_282 = vector.broadcast %add3A_281 : i32 to vector<16xi32>
        %add3A_283 = arith.addi %mul3A_280, %add3A_282 : vector<16xi32>
        tpu.vector_store_idx %arg12[%add3A_160, %add3A_283], %gather3A_277 : memref<128x32xf32, #tpu.memory_space<vmem>>[vector<16xi32>, vector<16xi32>], vector<16xf32>,
        %add3A_284 = arith.constant 12 : i32
        %add3A_285 = vector.broadcast %add3A_284 : i32 to vector<16xi32>
        %add3A_286 = arith.addi %get3A_164, %add3A_285 : vector<16xi32>
        %gather3A_287 = tpu.vector_load_idx %arg10[%add3A_160, %add3A_286] : memref<128x128xf32, #tpu.memory_space<vmem>>[vector<16xi32>, vector<16xi32>], vector<16xf32>,
        %mul3A_288 = arith.constant 0 : i32
        %mul3A_289 = vector.broadcast %mul3A_288 : i32 to vector<16xi32>
        %mul3A_290 = arith.muli %iota3A, %mul3A_289 : vector<16xi32>
        %add3A_291 = arith.constant 12 : i32
        %add3A_292 = vector.broadcast %add3A_291 : i32 to vector<16xi32>
        %add3A_293 = arith.addi %mul3A_290, %add3A_292 : vector<16xi32>
        tpu.vector_store_idx %arg12[%add3A_160, %add3A_293], %gather3A_287 : memref<128x32xf32, #tpu.memory_space<vmem>>[vector<16xi32>, vector<16xi32>], vector<16xf32>,
        %add3A_294 = arith.constant 13 : i32
        %add3A_295 = vector.broadcast %add3A_294 : i32 to vector<16xi32>
        %add3A_296 = arith.addi %get3A_164, %add3A_295 : vector<16xi32>
        %gather3A_297 = tpu.vector_load_idx %arg10[%add3A_160, %add3A_296] : memref<128x128xf32, #tpu.memory_space<vmem>>[vector<16xi32>, vector<16xi32>], vector<16xf32>,
        %mul3A_298 = arith.constant 0 : i32
        %mul3A_299 = vector.broadcast %mul3A_298 : i32 to vector<16xi32>
        %mul3A_300 = arith.muli %iota3A, %mul3A_299 : vector<16xi32>
        %add3A_301 = arith.constant 13 : i32
        %add3A_302 = vector.broadcast %add3A_301 : i32 to vector<16xi32>
        %add3A_303 = arith.addi %mul3A_300, %add3A_302 : vector<16xi32>
        tpu.vector_store_idx %arg12[%add3A_160, %add3A_303], %gather3A_297 : memref<128x32xf32, #tpu.memory_space<vmem>>[vector<16xi32>, vector<16xi32>], vector<16xf32>,
        %add3A_304 = arith.constant 14 : i32
        %add3A_305 = vector.broadcast %add3A_304 : i32 to vector<16xi32>
        %add3A_306 = arith.addi %get3A_164, %add3A_305 : vector<16xi32>
        %gather3A_307 = tpu.vector_load_idx %arg10[%add3A_160, %add3A_306] : memref<128x128xf32, #tpu.memory_space<vmem>>[vector<16xi32>, vector<16xi32>], vector<16xf32>,
        %mul3A_308 = arith.constant 0 : i32
        %mul3A_309 = vector.broadcast %mul3A_308 : i32 to vector<16xi32>
        %mul3A_310 = arith.muli %iota3A, %mul3A_309 : vector<16xi32>
        %add3A_311 = arith.constant 14 : i32
        %add3A_312 = vector.broadcast %add3A_311 : i32 to vector<16xi32>
        %add3A_313 = arith.addi %mul3A_310, %add3A_312 : vector<16xi32>
        tpu.vector_store_idx %arg12[%add3A_160, %add3A_313], %gather3A_307 : memref<128x32xf32, #tpu.memory_space<vmem>>[vector<16xi32>, vector<16xi32>], vector<16xf32>,
        %add3A_314 = arith.constant 15 : i32
        %add3A_315 = vector.broadcast %add3A_314 : i32 to vector<16xi32>
        %add3A_316 = arith.addi %get3A_164, %add3A_315 : vector<16xi32>
        %gather3A_317 = tpu.vector_load_idx %arg10[%add3A_160, %add3A_316] : memref<128x128xf32, #tpu.memory_space<vmem>>[vector<16xi32>, vector<16xi32>], vector<16xf32>,
        %mul3A_318 = arith.constant 0 : i32
        %mul3A_319 = vector.broadcast %mul3A_318 : i32 to vector<16xi32>
        %mul3A_320 = arith.muli %iota3A, %mul3A_319 : vector<16xi32>
        %add3A_321 = arith.constant 15 : i32
        %add3A_322 = vector.broadcast %add3A_321 : i32 to vector<16xi32>
        %add3A_323 = arith.addi %mul3A_320, %add3A_322 : vector<16xi32>
        tpu.vector_store_idx %arg12[%add3A_160, %add3A_323], %gather3A_317 : memref<128x32xf32, #tpu.memory_space<vmem>>[vector<16xi32>, vector<16xi32>], vector<16xf32>,
        %add3A_324 = arith.constant 16 : i32
        %add3A_325 = vector.broadcast %add3A_324 : i32 to vector<16xi32>
        %add3A_326 = arith.addi %get3A_164, %add3A_325 : vector<16xi32>
        %gather3A_327 = tpu.vector_load_idx %arg10[%add3A_160, %add3A_326] : memref<128x128xf32, #tpu.memory_space<vmem>>[vector<16xi32>, vector<16xi32>], vector<16xf32>,
        %mul3A_328 = arith.constant 0 : i32
        %mul3A_329 = vector.broadcast %mul3A_328 : i32 to vector<16xi32>
        %mul3A_330 = arith.muli %iota3A, %mul3A_329 : vector<16xi32>
        %add3A_331 = arith.constant 16 : i32
        %add3A_332 = vector.broadcast %add3A_331 : i32 to vector<16xi32>
        %add3A_333 = arith.addi %mul3A_330, %add3A_332 : vector<16xi32>
        tpu.vector_store_idx %arg12[%add3A_160, %add3A_333], %gather3A_327 : memref<128x32xf32, #tpu.memory_space<vmem>>[vector<16xi32>, vector<16xi32>], vector<16xf32>,
        %add3A_334 = arith.constant 17 : i32
        %add3A_335 = vector.broadcast %add3A_334 : i32 to vector<16xi32>
        %add3A_336 = arith.addi %get3A_164, %add3A_335 : vector<16xi32>
        %gather3A_337 = tpu.vector_load_idx %arg10[%add3A_160, %add3A_336] : memref<128x128xf32, #tpu.memory_space<vmem>>[vector<16xi32>, vector<16xi32>], vector<16xf32>,
        %mul3A_338 = arith.constant 0 : i32
        %mul3A_339 = vector.broadcast %mul3A_338 : i32 to vector<16xi32>
        %mul3A_340 = arith.muli %iota3A, %mul3A_339 : vector<16xi32>
        %add3A_341 = arith.constant 17 : i32
        %add3A_342 = vector.broadcast %add3A_341 : i32 to vector<16xi32>
        %add3A_343 = arith.addi %mul3A_340, %add3A_342 : vector<16xi32>
        tpu.vector_store_idx %arg12[%add3A_160, %add3A_343], %gather3A_337 : memref<128x32xf32, #tpu.memory_space<vmem>>[vector<16xi32>, vector<16xi32>], vector<16xf32>,
        %add3A_344 = arith.constant 18 : i32
        %add3A_345 = vector.broadcast %add3A_344 : i32 to vector<16xi32>
        %add3A_346 = arith.addi %get3A_164, %add3A_345 : vector<16xi32>
        %gather3A_347 = tpu.vector_load_idx %arg10[%add3A_160, %add3A_346] : memref<128x128xf32, #tpu.memory_space<vmem>>[vector<16xi32>, vector<16xi32>], vector<16xf32>,
        %mul3A_348 = arith.constant 0 : i32
        %mul3A_349 = vector.broadcast %mul3A_348 : i32 to vector<16xi32>
        %mul3A_350 = arith.muli %iota3A, %mul3A_349 : vector<16xi32>
        %add3A_351 = arith.constant 18 : i32
        %add3A_352 = vector.broadcast %add3A_351 : i32 to vector<16xi32>
        %add3A_353 = arith.addi %mul3A_350, %add3A_352 : vector<16xi32>
        tpu.vector_store_idx %arg12[%add3A_160, %add3A_353], %gather3A_347 : memref<128x32xf32, #tpu.memory_space<vmem>>[vector<16xi32>, vector<16xi32>], vector<16xf32>,
        %add3A_354 = arith.constant 19 : i32
        %add3A_355 = vector.broadcast %add3A_354 : i32 to vector<16xi32>
        %add3A_356 = arith.addi %get3A_164, %add3A_355 : vector<16xi32>
        %gather3A_357 = tpu.vector_load_idx %arg10[%add3A_160, %add3A_356] : memref<128x128xf32, #tpu.memory_space<vmem>>[vector<16xi32>, vector<16xi32>], vector<16xf32>,
        %mul3A_358 = arith.constant 0 : i32
        %mul3A_359 = vector.broadcast %mul3A_358 : i32 to vector<16xi32>
        %mul3A_360 = arith.muli %iota3A, %mul3A_359 : vector<16xi32>
        %add3A_361 = arith.constant 19 : i32
        %add3A_362 = vector.broadcast %add3A_361 : i32 to vector<16xi32>
        %add3A_363 = arith.addi %mul3A_360, %add3A_362 : vector<16xi32>
        tpu.vector_store_idx %arg12[%add3A_160, %add3A_363], %gather3A_357 : memref<128x32xf32, #tpu.memory_space<vmem>>[vector<16xi32>, vector<16xi32>], vector<16xf32>,
        %add3A_364 = arith.constant 20 : i32
        %add3A_365 = vector.broadcast %add3A_364 : i32 to vector<16xi32>
        %add3A_366 = arith.addi %get3A_164, %add3A_365 : vector<16xi32>
        %gather3A_367 = tpu.vector_load_idx %arg10[%add3A_160, %add3A_366] : memref<128x128xf32, #tpu.memory_space<vmem>>[vector<16xi32>, vector<16xi32>], vector<16xf32>,
        %mul3A_368 = arith.constant 0 : i32
        %mul3A_369 = vector.broadcast %mul3A_368 : i32 to vector<16xi32>
        %mul3A_370 = arith.muli %iota3A, %mul3A_369 : vector<16xi32>
        %add3A_371 = arith.constant 20 : i32
        %add3A_372 = vector.broadcast %add3A_371 : i32 to vector<16xi32>
        %add3A_373 = arith.addi %mul3A_370, %add3A_372 : vector<16xi32>
        tpu.vector_store_idx %arg12[%add3A_160, %add3A_373], %gather3A_367 : memref<128x32xf32, #tpu.memory_space<vmem>>[vector<16xi32>, vector<16xi32>], vector<16xf32>,
        %add3A_374 = arith.constant 21 : i32
        %add3A_375 = vector.broadcast %add3A_374 : i32 to vector<16xi32>
        %add3A_376 = arith.addi %get3A_164, %add3A_375 : vector<16xi32>
        %gather3A_377 = tpu.vector_load_idx %arg10[%add3A_160, %add3A_376] : memref<128x128xf32, #tpu.memory_space<vmem>>[vector<16xi32>, vector<16xi32>], vector<16xf32>,
        %mul3A_378 = arith.constant 0 : i32
        %mul3A_379 = vector.broadcast %mul3A_378 : i32 to vector<16xi32>
        %mul3A_380 = arith.muli %iota3A, %mul3A_379 : vector<16xi32>
        %add3A_381 = arith.constant 21 : i32
        %add3A_382 = vector.broadcast %add3A_381 : i32 to vector<16xi32>
        %add3A_383 = arith.addi %mul3A_380, %add3A_382 : vector<16xi32>
        tpu.vector_store_idx %arg12[%add3A_160, %add3A_383], %gather3A_377 : memref<128x32xf32, #tpu.memory_space<vmem>>[vector<16xi32>, vector<16xi32>], vector<16xf32>,
        %add3A_384 = arith.constant 22 : i32
        %add3A_385 = vector.broadcast %add3A_384 : i32 to vector<16xi32>
        %add3A_386 = arith.addi %get3A_164, %add3A_385 : vector<16xi32>
        %gather3A_387 = tpu.vector_load_idx %arg10[%add3A_160, %add3A_386] : memref<128x128xf32, #tpu.memory_space<vmem>>[vector<16xi32>, vector<16xi32>], vector<16xf32>,
        %mul3A_388 = arith.constant 0 : i32
        %mul3A_389 = vector.broadcast %mul3A_388 : i32 to vector<16xi32>
        %mul3A_390 = arith.muli %iota3A, %mul3A_389 : vector<16xi32>
        %add3A_391 = arith.constant 22 : i32
        %add3A_392 = vector.broadcast %add3A_391 : i32 to vector<16xi32>
        %add3A_393 = arith.addi %mul3A_390, %add3A_392 : vector<16xi32>
        tpu.vector_store_idx %arg12[%add3A_160, %add3A_393], %gather3A_387 : memref<128x32xf32, #tpu.memory_space<vmem>>[vector<16xi32>, vector<16xi32>], vector<16xf32>,
        %add3A_394 = arith.constant 23 : i32
        %add3A_395 = vector.broadcast %add3A_394 : i32 to vector<16xi32>
        %add3A_396 = arith.addi %get3A_164, %add3A_395 : vector<16xi32>
        %gather3A_397 = tpu.vector_load_idx %arg10[%add3A_160, %add3A_396] : memref<128x128xf32, #tpu.memory_space<vmem>>[vector<16xi32>, vector<16xi32>], vector<16xf32>,
        %mul3A_398 = arith.constant 0 : i32
        %mul3A_399 = vector.broadcast %mul3A_398 : i32 to vector<16xi32>
        %mul3A_400 = arith.muli %iota3A, %mul3A_399 : vector<16xi32>
        %add3A_401 = arith.constant 23 : i32
        %add3A_402 = vector.broadcast %add3A_401 : i32 to vector<16xi32>
        %add3A_403 = arith.addi %mul3A_400, %add3A_402 : vector<16xi32>
        tpu.vector_store_idx %arg12[%add3A_160, %add3A_403], %gather3A_397 : memref<128x32xf32, #tpu.memory_space<vmem>>[vector<16xi32>, vector<16xi32>], vector<16xf32>,
        %add3A_404 = arith.constant 24 : i32
        %add3A_405 = vector.broadcast %add3A_404 : i32 to vector<16xi32>
        %add3A_406 = arith.addi %get3A_164, %add3A_405 : vector<16xi32>
        %gather3A_407 = tpu.vector_load_idx %arg10[%add3A_160, %add3A_406] : memref<128x128xf32, #tpu.memory_space<vmem>>[vector<16xi32>, vector<16xi32>], vector<16xf32>,
        %mul3A_408 = arith.constant 0 : i32
        %mul3A_409 = vector.broadcast %mul3A_408 : i32 to vector<16xi32>
        %mul3A_410 = arith.muli %iota3A, %mul3A_409 : vector<16xi32>
        %add3A_411 = arith.constant 24 : i32
        %add3A_412 = vector.broadcast %add3A_411 : i32 to vector<16xi32>
        %add3A_413 = arith.addi %mul3A_410, %add3A_412 : vector<16xi32>
        tpu.vector_store_idx %arg12[%add3A_160, %add3A_413], %gather3A_407 : memref<128x32xf32, #tpu.memory_space<vmem>>[vector<16xi32>, vector<16xi32>], vector<16xf32>,
        %add3A_414 = arith.constant 25 : i32
        %add3A_415 = vector.broadcast %add3A_414 : i32 to vector<16xi32>
        %add3A_416 = arith.addi %get3A_164, %add3A_415 : vector<16xi32>
        %gather3A_417 = tpu.vector_load_idx %arg10[%add3A_160, %add3A_416] : memref<128x128xf32, #tpu.memory_space<vmem>>[vector<16xi32>, vector<16xi32>], vector<16xf32>,
        %mul3A_418 = arith.constant 0 : i32
        %mul3A_419 = vector.broadcast %mul3A_418 : i32 to vector<16xi32>
        %mul3A_420 = arith.muli %iota3A, %mul3A_419 : vector<16xi32>
        %add3A_421 = arith.constant 25 : i32
        %add3A_422 = vector.broadcast %add3A_421 : i32 to vector<16xi32>
        %add3A_423 = arith.addi %mul3A_420, %add3A_422 : vector<16xi32>
        tpu.vector_store_idx %arg12[%add3A_160, %add3A_423], %gather3A_417 : memref<128x32xf32, #tpu.memory_space<vmem>>[vector<16xi32>, vector<16xi32>], vector<16xf32>,
        %add3A_424 = arith.constant 26 : i32
        %add3A_425 = vector.broadcast %add3A_424 : i32 to vector<16xi32>
        %add3A_426 = arith.addi %get3A_164, %add3A_425 : vector<16xi32>
        %gather3A_427 = tpu.vector_load_idx %arg10[%add3A_160, %add3A_426] : memref<128x128xf32, #tpu.memory_space<vmem>>[vector<16xi32>, vector<16xi32>], vector<16xf32>,
        %mul3A_428 = arith.constant 0 : i32
        %mul3A_429 = vector.broadcast %mul3A_428 : i32 to vector<16xi32>
        %mul3A_430 = arith.muli %iota3A, %mul3A_429 : vector<16xi32>
        %add3A_431 = arith.constant 26 : i32
        %add3A_432 = vector.broadcast %add3A_431 : i32 to vector<16xi32>
        %add3A_433 = arith.addi %mul3A_430, %add3A_432 : vector<16xi32>
        tpu.vector_store_idx %arg12[%add3A_160, %add3A_433], %gather3A_427 : memref<128x32xf32, #tpu.memory_space<vmem>>[vector<16xi32>, vector<16xi32>], vector<16xf32>,
        %add3A_434 = arith.constant 27 : i32
        %add3A_435 = vector.broadcast %add3A_434 : i32 to vector<16xi32>
        %add3A_436 = arith.addi %get3A_164, %add3A_435 : vector<16xi32>
        %gather3A_437 = tpu.vector_load_idx %arg10[%add3A_160, %add3A_436] : memref<128x128xf32, #tpu.memory_space<vmem>>[vector<16xi32>, vector<16xi32>], vector<16xf32>,
        %mul3A_438 = arith.constant 0 : i32
        %mul3A_439 = vector.broadcast %mul3A_438 : i32 to vector<16xi32>
        %mul3A_440 = arith.muli %iota3A, %mul3A_439 : vector<16xi32>
        %add3A_441 = arith.constant 27 : i32
        %add3A_442 = vector.broadcast %add3A_441 : i32 to vector<16xi32>
        %add3A_443 = arith.addi %mul3A_440, %add3A_442 : vector<16xi32>
        tpu.vector_store_idx %arg12[%add3A_160, %add3A_443], %gather3A_437 : memref<128x32xf32, #tpu.memory_space<vmem>>[vector<16xi32>, vector<16xi32>], vector<16xf32>,
        %add3A_444 = arith.constant 28 : i32
        %add3A_445 = vector.broadcast %add3A_444 : i32 to vector<16xi32>
        %add3A_446 = arith.addi %get3A_164, %add3A_445 : vector<16xi32>
        %gather3A_447 = tpu.vector_load_idx %arg10[%add3A_160, %add3A_446] : memref<128x128xf32, #tpu.memory_space<vmem>>[vector<16xi32>, vector<16xi32>], vector<16xf32>,
        %mul3A_448 = arith.constant 0 : i32
        %mul3A_449 = vector.broadcast %mul3A_448 : i32 to vector<16xi32>
        %mul3A_450 = arith.muli %iota3A, %mul3A_449 : vector<16xi32>
        %add3A_451 = arith.constant 28 : i32
        %add3A_452 = vector.broadcast %add3A_451 : i32 to vector<16xi32>
        %add3A_453 = arith.addi %mul3A_450, %add3A_452 : vector<16xi32>
        tpu.vector_store_idx %arg12[%add3A_160, %add3A_453], %gather3A_447 : memref<128x32xf32, #tpu.memory_space<vmem>>[vector<16xi32>, vector<16xi32>], vector<16xf32>,
        %add3A_454 = arith.constant 29 : i32
        %add3A_455 = vector.broadcast %add3A_454 : i32 to vector<16xi32>
        %add3A_456 = arith.addi %get3A_164, %add3A_455 : vector<16xi32>
        %gather3A_457 = tpu.vector_load_idx %arg10[%add3A_160, %add3A_456] : memref<128x128xf32, #tpu.memory_space<vmem>>[vector<16xi32>, vector<16xi32>], vector<16xf32>,
        %mul3A_458 = arith.constant 0 : i32
        %mul3A_459 = vector.broadcast %mul3A_458 : i32 to vector<16xi32>
        %mul3A_460 = arith.muli %iota3A, %mul3A_459 : vector<16xi32>
        %add3A_461 = arith.constant 29 : i32
        %add3A_462 = vector.broadcast %add3A_461 : i32 to vector<16xi32>
        %add3A_463 = arith.addi %mul3A_460, %add3A_462 : vector<16xi32>
        tpu.vector_store_idx %arg12[%add3A_160, %add3A_463], %gather3A_457 : memref<128x32xf32, #tpu.memory_space<vmem>>[vector<16xi32>, vector<16xi32>], vector<16xf32>,
        %add3A_464 = arith.constant 30 : i32
        %add3A_465 = vector.broadcast %add3A_464 : i32 to vector<16xi32>
        %add3A_466 = arith.addi %get3A_164, %add3A_465 : vector<16xi32>
        %gather3A_467 = tpu.vector_load_idx %arg10[%add3A_160, %add3A_466] : memref<128x128xf32, #tpu.memory_space<vmem>>[vector<16xi32>, vector<16xi32>], vector<16xf32>,
        %mul3A_468 = arith.constant 0 : i32
        %mul3A_469 = vector.broadcast %mul3A_468 : i32 to vector<16xi32>
        %mul3A_470 = arith.muli %iota3A, %mul3A_469 : vector<16xi32>
        %add3A_471 = arith.constant 30 : i32
        %add3A_472 = vector.broadcast %add3A_471 : i32 to vector<16xi32>
        %add3A_473 = arith.addi %mul3A_470, %add3A_472 : vector<16xi32>
        tpu.vector_store_idx %arg12[%add3A_160, %add3A_473], %gather3A_467 : memref<128x32xf32, #tpu.memory_space<vmem>>[vector<16xi32>, vector<16xi32>], vector<16xf32>,
        %add3A_474 = arith.constant 31 : i32
        %add3A_475 = vector.broadcast %add3A_474 : i32 to vector<16xi32>
        %add3A_476 = arith.addi %get3A_164, %add3A_475 : vector<16xi32>
        %gather3A_477 = tpu.vector_load_idx %arg10[%add3A_160, %add3A_476] : memref<128x128xf32, #tpu.memory_space<vmem>>[vector<16xi32>, vector<16xi32>], vector<16xf32>,
        %mul3A_478 = arith.constant 0 : i32
        %mul3A_479 = vector.broadcast %mul3A_478 : i32 to vector<16xi32>
        %mul3A_480 = arith.muli %iota3A, %mul3A_479 : vector<16xi32>
        %add3A_481 = arith.constant 31 : i32
        %add3A_482 = vector.broadcast %add3A_481 : i32 to vector<16xi32>
        %add3A_483 = arith.addi %mul3A_480, %add3A_482 : vector<16xi32>
        tpu.vector_store_idx %arg12[%add3A_160, %add3A_483], %gather3A_477 : memref<128x32xf32, #tpu.memory_space<vmem>>[vector<16xi32>, vector<16xi32>], vector<16xf32>,
      }
      %scan3A_146 = arith.constant 8 : i32
      %mul3A_147 = arith.constant 128 : i32
      %mul3A_148 = arith.muli %add3A_136, %mul3A_147 : i32
      %add3A_149 = arith.addi %mul3A_2, %mul3A_148 : i32
      %dma_start3A_150 = arith.constant 0 : i32
      %dma_start3A_151 = tpu.memref_slice %arg5[%add3A_149, %dma_start3A_150] : memref<425984x32xf32, #tpu.memory_space<hbm>> -> memref<128x32xf32, #tpu.memory_space<hbm>>
      %dma_start3A_152 = arith.constant 0 : i32
      %dma_start3A_153 = tpu.memref_slice %arg5[%add3A_149, %dma_start3A_152] : memref<425984x32xf32, #tpu.memory_space<hbm>> -> memref<128x32xf32, #tpu.memory_space<hbm>>
      tpu.enqueue_dma source(%arg12 : memref<128x32xf32, #tpu.memory_space<vmem>>) target(%dma_start3A_153 : memref<128x32xf32, #tpu.memory_space<hbm>>) target_semaphore(%arg16 : memref<!tpu.dma_semaphore, #tpu.memory_space<semaphore_mem>>)
    }
    %scan3A_26 = arith.constant 52 : i32
    %dma_wait3A = arith.constant 0 : i32
    %dma_wait3A_27 = arith.constant 0 : i32
    %dma_wait3A_28 = tpu.memref_slice %arg5[%dma_wait3A, %dma_wait3A_27] : memref<425984x32xf32, #tpu.memory_space<hbm>> -> memref<128x32xf32, #tpu.memory_space<hbm>>
    %dma_wait3A_29 = arith.constant 0 : i32
    %dma_wait3A_30 = arith.constant 0 : i32
    %dma_wait3A_31 = tpu.memref_slice %arg5[%dma_wait3A_29, %dma_wait3A_30] : memref<425984x32xf32, #tpu.memory_space<hbm>> -> memref<128x32xf32, #tpu.memory_space<hbm>>
    tpu.wait_dma2 semaphore(%arg15 : memref<!tpu.dma_semaphore, #tpu.memory_space<semaphore_mem>>) src(%arg11 : memref<128x32xf32, #tpu.memory_space<vmem>>) dst(%dma_wait3A_31 : memref<128x32xf32, #tpu.memory_space<hbm>>)
    %dma_wait3A_32 = arith.constant 0 : i32
    %dma_wait3A_33 = arith.constant 0 : i32
    %dma_wait3A_34 = tpu.memref_slice %arg5[%dma_wait3A_32, %dma_wait3A_33] : memref<425984x32xf32, #tpu.memory_space<hbm>> -> memref<128x32xf32, #tpu.memory_space<hbm>>
    %dma_wait3A_35 = arith.constant 0 : i32
    %dma_wait3A_36 = arith.constant 0 : i32
    %dma_wait3A_37 = tpu.memref_slice %arg5[%dma_wait3A_35, %dma_wait3A_36] : memref<425984x32xf32, #tpu.memory_space<hbm>> -> memref<128x32xf32, #tpu.memory_space<hbm>>
    tpu.wait_dma2 semaphore(%arg16 : memref<!tpu.dma_semaphore, #tpu.memory_space<semaphore_mem>>) src(%arg12 : memref<128x32xf32, #tpu.memory_space<vmem>>) dst(%dma_wait3A_37 : memref<128x32xf32, #tpu.memory_space<hbm>>)
    return
  }
}

module attributes {stable_mosaic.version = 14 : i64} {
  func.func @_compact_kernel(%arg0: i32, %arg1: memref<1000x32xf32, #tpu.memory_space<vmem>>, %arg2: memref<1000x32xf32, #tpu.memory_space<vmem>>, %arg3: memref<1000x32xf32, #tpu.memory_space<vmem>>, %arg4: memref<1000x32xf32, #tpu.memory_space<vmem>>, %arg5: memref<1000x128xf32, #tpu.memory_space<vmem>>) attributes {dimension_semantics = [#tpu.dimension_semantics<arbitrary>], iteration_bounds = array<i64: 650>, scalar_prefetch = 0 : i64, scratch_operands = 0 : i64, tpu.core_type = #tpu.core_type<tc>, window_params = [{transform_indices = @transform_0, window_bounds = array<i64: 1000, 32>}, {transform_indices = @transform_1, window_bounds = array<i64: 1000, 32>}, {transform_indices = @transform_2, window_bounds = array<i64: 1000, 32>}, {transform_indices = @transform_3, window_bounds = array<i64: 1000, 32>}, {transform_indices = @transform_4, window_bounds = array<i64: 1000, 128>}]} {
    %get3A = arith.constant 0 : index
    %get3A_0 = arith.constant 0 : index
    %get3A_1 = vector.load %arg1[%get3A, %get3A_0] : memref<1000x32xf32, #tpu.memory_space<vmem>>, vector<1000x32xf32>
    %get3A_2 = arith.constant 0 : index
    %get3A_3 = arith.constant 0 : index
    %get3A_4 = vector.load %arg2[%get3A_2, %get3A_3] : memref<1000x32xf32, #tpu.memory_space<vmem>>, vector<1000x32xf32>
    %get3A_5 = arith.constant 0 : index
    %get3A_6 = arith.constant 0 : index
    %get3A_7 = vector.load %arg3[%get3A_5, %get3A_6] : memref<1000x32xf32, #tpu.memory_space<vmem>>, vector<1000x32xf32>
    %get3A_8 = arith.constant 0 : index
    %get3A_9 = arith.constant 0 : index
    %get3A_10 = vector.load %arg4[%get3A_8, %get3A_9] : memref<1000x32xf32, #tpu.memory_space<vmem>>, vector<1000x32xf32>
    %concatenate3A = tpu.concatenate %get3A_1, %get3A_4, %get3A_7, %get3A_10 in 1 : vector<1000x32xf32>, vector<1000x32xf32>, vector<1000x32xf32>, vector<1000x32xf32> -> vector<1000x128xf32>
    %swap3A = arith.constant 0 : index
    %swap3A_11 = arith.constant 0 : index
    %swap3A_12 = vector.load %arg5[%swap3A, %swap3A_11] : memref<1000x128xf32, #tpu.memory_space<vmem>>, vector<1000x128xf32>
    tpu.vector_store %arg5[%swap3A, %swap3A_11], %concatenate3A {strides = array<i32>} : memref<1000x128xf32, #tpu.memory_space<vmem>>, vector<1000x128xf32>,
    return
  }
  func.func @transform_0(%arg0: i32) -> (i32, i32) {
    %add3A = arith.constant 0 : i32
    %add3A_0 = arith.addi %add3A, %arg0 : i32
    %c0_i32 = arith.constant 0 : i32
    %c0_i32_1 = arith.constant 0 : i32
    return %add3A_0, %c0_i32 : i32, i32
  }
  func.func @transform_1(%arg0: i32) -> (i32, i32) {
    %add3A = arith.constant 650 : i32
    %add3A_0 = arith.addi %add3A, %arg0 : i32
    %c0_i32 = arith.constant 0 : i32
    %c0_i32_1 = arith.constant 0 : i32
    return %add3A_0, %c0_i32 : i32, i32
  }
  func.func @transform_2(%arg0: i32) -> (i32, i32) {
    %add3A = arith.constant 1300 : i32
    %add3A_0 = arith.addi %add3A, %arg0 : i32
    %c0_i32 = arith.constant 0 : i32
    %c0_i32_1 = arith.constant 0 : i32
    return %add3A_0, %c0_i32 : i32, i32
  }
  func.func @transform_3(%arg0: i32) -> (i32, i32) {
    %add3A = arith.constant 1950 : i32
    %add3A_0 = arith.addi %add3A, %arg0 : i32
    %c0_i32 = arith.constant 0 : i32
    %c0_i32_1 = arith.constant 0 : i32
    return %add3A_0, %c0_i32 : i32, i32
  }
  func.func @transform_4(%arg0: i32) -> (i32, i32) {
    %c0_i32 = arith.constant 0 : i32
    %c0_i32_0 = arith.constant 0 : i32
    return %arg0, %c0_i32 : i32, i32
  }
}

module attributes {stable_mosaic.version = 14 : i64} {
  func.func @_mlp_kernel(%arg0: i32, %arg1: memref<1024x832xf32, #tpu.memory_space<vmem>>, %arg2: memref<1024x13xf32, #tpu.memory_space<vmem>>, %arg3: memref<832x128xf32, #tpu.memory_space<vmem>>, %arg4: memref<13x128xf32, #tpu.memory_space<vmem>>, %arg5: memref<1x128xf32, #tpu.memory_space<vmem>>, %arg6: memref<128x64xf32, #tpu.memory_space<vmem>>, %arg7: memref<1x64xf32, #tpu.memory_space<vmem>>, %arg8: memref<64x1xf32, #tpu.memory_space<vmem>>, %arg9: memref<1x1xf32, #tpu.memory_space<vmem>>, %arg10: memref<1024x1xf32, #tpu.memory_space<vmem>>) attributes {dimension_semantics = [#tpu.dimension_semantics<arbitrary>], iteration_bounds = array<i64: 16>, scalar_prefetch = 0 : i64, scratch_operands = 0 : i64, tpu.core_type = #tpu.core_type<tc>, window_params = [{transform_indices = @transform_0, window_bounds = array<i64: 1024, 832>}, {transform_indices = @transform_1, window_bounds = array<i64: 1024, 13>}, {pipeline_mode = #tpu.pipeline_mode<synchronous>, transform_indices = @transform_2, window_bounds = array<i64: 832, 128>}, {pipeline_mode = #tpu.pipeline_mode<synchronous>, transform_indices = @transform_3, window_bounds = array<i64: 13, 128>}, {pipeline_mode = #tpu.pipeline_mode<synchronous>, transform_indices = @transform_4, window_bounds = array<i64: 1, 128>}, {pipeline_mode = #tpu.pipeline_mode<synchronous>, transform_indices = @transform_5, window_bounds = array<i64: 128, 64>}, {pipeline_mode = #tpu.pipeline_mode<synchronous>, transform_indices = @transform_6, window_bounds = array<i64: 1, 64>}, {pipeline_mode = #tpu.pipeline_mode<synchronous>, transform_indices = @transform_7, window_bounds = array<i64: 64, 1>}, {pipeline_mode = #tpu.pipeline_mode<synchronous>, transform_indices = @transform_8, window_bounds = array<i64: 1, 1>}, {transform_indices = @transform_9, window_bounds = array<i64: 1024, 1>}]} {
    %get3A = arith.constant 0 : index
    %get3A_0 = arith.constant 0 : index
    %get3A_1 = vector.load %arg1[%get3A, %get3A_0] : memref<1024x832xf32, #tpu.memory_space<vmem>>, vector<1024x832xf32>
    %get3A_2 = arith.constant 0 : index
    %get3A_3 = arith.constant 0 : index
    %get3A_4 = vector.load %arg3[%get3A_2, %get3A_3] : memref<832x128xf32, #tpu.memory_space<vmem>>, vector<832x128xf32>
    %dot_general3A = arith.constant dense<0.000000e+00> : vector<1024x128xf32>
    %dot_general3A_5 = tpu.matmul %get3A_1, %get3A_4, %dot_general3A {dimension_numbers = #tpu.dot_dimension_numbers<[1], [0], [0], [1], [0, 0, 1, 1], [], []>, transpose_lhs_hint = false} : vector<1024x832xf32>, vector<832x128xf32>, vector<1024x128xf32> -> vector<1024x128xf32>
    %get3A_6 = arith.constant 0 : index
    %get3A_7 = arith.constant 0 : index
    %get3A_8 = vector.load %arg2[%get3A_6, %get3A_7] : memref<1024x13xf32, #tpu.memory_space<vmem>>, vector<1024x13xf32>
    %get3A_9 = arith.constant 0 : index
    %get3A_10 = arith.constant 0 : index
    %get3A_11 = vector.load %arg4[%get3A_9, %get3A_10] : memref<13x128xf32, #tpu.memory_space<vmem>>, vector<13x128xf32>
    %dot_general3A_12 = arith.constant dense<0.000000e+00> : vector<1024x128xf32>
    %dot_general3A_13 = tpu.matmul %get3A_8, %get3A_11, %dot_general3A_12 {dimension_numbers = #tpu.dot_dimension_numbers<[1], [0], [0], [1], [0, 0, 1, 1], [], []>, transpose_lhs_hint = false} : vector<1024x13xf32>, vector<13x128xf32>, vector<1024x128xf32> -> vector<1024x128xf32>
    %add3A = arith.addf %dot_general3A_5, %dot_general3A_13 : vector<1024x128xf32>
    %get3A_14 = arith.constant 0 : index
    %get3A_15 = arith.constant 0 : index
    %get3A_16 = vector.load %arg5[%get3A_14, %get3A_15] : memref<1x128xf32, #tpu.memory_space<vmem>>, vector<1x128xf32>
    %add3A_17 = vector.broadcast %get3A_16 : vector<1x128xf32> to vector<1024x128xf32>
    %add3A_18 = arith.addf %add3A, %add3A_17 : vector<1024x128xf32>
    %max3A = arith.constant 0.000000e+00 : f32
    %max3A_19 = vector.broadcast %max3A : f32 to vector<1024x128xf32>
    %max3A_20 = arith.maximumf %add3A_18, %max3A_19 : vector<1024x128xf32>
    %get3A_21 = arith.constant 0 : index
    %get3A_22 = arith.constant 0 : index
    %get3A_23 = vector.load %arg6[%get3A_21, %get3A_22] : memref<128x64xf32, #tpu.memory_space<vmem>>, vector<128x64xf32>
    %dot_general3A_24 = arith.constant dense<0.000000e+00> : vector<1024x64xf32>
    %dot_general3A_25 = tpu.matmul %max3A_20, %get3A_23, %dot_general3A_24 {dimension_numbers = #tpu.dot_dimension_numbers<[1], [0], [0], [1], [0, 0, 1, 1], [], []>, transpose_lhs_hint = false} : vector<1024x128xf32>, vector<128x64xf32>, vector<1024x64xf32> -> vector<1024x64xf32>
    %get3A_26 = arith.constant 0 : index
    %get3A_27 = arith.constant 0 : index
    %get3A_28 = vector.load %arg7[%get3A_26, %get3A_27] : memref<1x64xf32, #tpu.memory_space<vmem>>, vector<1x64xf32>
    %add3A_29 = vector.broadcast %get3A_28 : vector<1x64xf32> to vector<1024x64xf32>
    %add3A_30 = arith.addf %dot_general3A_25, %add3A_29 : vector<1024x64xf32>
    %max3A_31 = arith.constant 0.000000e+00 : f32
    %max3A_32 = vector.broadcast %max3A_31 : f32 to vector<1024x64xf32>
    %max3A_33 = arith.maximumf %add3A_30, %max3A_32 : vector<1024x64xf32>
    %get3A_34 = arith.constant 0 : index
    %get3A_35 = arith.constant 0 : index
    %get3A_36 = vector.load %arg8[%get3A_34, %get3A_35] : memref<64x1xf32, #tpu.memory_space<vmem>>, vector<64x1xf32>
    %dot_general3A_37 = arith.constant dense<0.000000e+00> : vector<1024x1xf32>
    %dot_general3A_38 = tpu.matmul %max3A_33, %get3A_36, %dot_general3A_37 {dimension_numbers = #tpu.dot_dimension_numbers<[1], [0], [0], [1], [0, 0, 1, 1], [], []>, transpose_lhs_hint = false} : vector<1024x64xf32>, vector<64x1xf32>, vector<1024x1xf32> -> vector<1024x1xf32>
    %get3A_39 = arith.constant 0 : index
    %get3A_40 = arith.constant 0 : index
    %get3A_41 = vector.load %arg9[%get3A_39, %get3A_40] : memref<1x1xf32, #tpu.memory_space<vmem>>, vector<1x1xf32>
    %add3A_42 = vector.broadcast %get3A_41 : vector<1x1xf32> to vector<1024x1xf32>
    %add3A_43 = arith.addf %dot_general3A_38, %add3A_42 : vector<1024x1xf32>
    %swap3A = arith.constant 0 : index
    %swap3A_44 = arith.constant 0 : index
    %swap3A_45 = vector.load %arg10[%swap3A, %swap3A_44] : memref<1024x1xf32, #tpu.memory_space<vmem>>, vector<1024x1xf32>
    tpu.vector_store %arg10[%swap3A, %swap3A_44], %add3A_43 {strides = array<i32>} : memref<1024x1xf32, #tpu.memory_space<vmem>>, vector<1024x1xf32>,
    return
  }
  func.func @transform_0(%arg0: i32) -> (i32, i32) {
    %c0_i32 = arith.constant 0 : i32
    %c0_i32_0 = arith.constant 0 : i32
    return %arg0, %c0_i32 : i32, i32
  }
  func.func @transform_1(%arg0: i32) -> (i32, i32) {
    %c0_i32 = arith.constant 0 : i32
    %c0_i32_0 = arith.constant 0 : i32
    return %arg0, %c0_i32 : i32, i32
  }
  func.func @transform_2(%arg0: i32) -> (i32, i32) {
    %c0_i32 = arith.constant 0 : i32
    %c0_i32_0 = arith.constant 0 : i32
    %c0_i32_1 = arith.constant 0 : i32
    return %c0_i32, %c0_i32_0 : i32, i32
  }
  func.func @transform_3(%arg0: i32) -> (i32, i32) {
    %c0_i32 = arith.constant 0 : i32
    %c0_i32_0 = arith.constant 0 : i32
    %c0_i32_1 = arith.constant 0 : i32
    return %c0_i32, %c0_i32_0 : i32, i32
  }
  func.func @transform_4(%arg0: i32) -> (i32, i32) {
    %c0_i32 = arith.constant 0 : i32
    %c0_i32_0 = arith.constant 0 : i32
    %c0_i32_1 = arith.constant 0 : i32
    return %c0_i32, %c0_i32_0 : i32, i32
  }
  func.func @transform_5(%arg0: i32) -> (i32, i32) {
    %c0_i32 = arith.constant 0 : i32
    %c0_i32_0 = arith.constant 0 : i32
    %c0_i32_1 = arith.constant 0 : i32
    return %c0_i32, %c0_i32_0 : i32, i32
  }
  func.func @transform_6(%arg0: i32) -> (i32, i32) {
    %c0_i32 = arith.constant 0 : i32
    %c0_i32_0 = arith.constant 0 : i32
    %c0_i32_1 = arith.constant 0 : i32
    return %c0_i32, %c0_i32_0 : i32, i32
  }
  func.func @transform_7(%arg0: i32) -> (i32, i32) {
    %c0_i32 = arith.constant 0 : i32
    %c0_i32_0 = arith.constant 0 : i32
    %c0_i32_1 = arith.constant 0 : i32
    return %c0_i32, %c0_i32_0 : i32, i32
  }
  func.func @transform_8(%arg0: i32) -> (i32, i32) {
    %c0_i32 = arith.constant 0 : i32
    %c0_i32_0 = arith.constant 0 : i32
    %c0_i32_1 = arith.constant 0 : i32
    return %c0_i32, %c0_i32_0 : i32, i32
  }
  func.func @transform_9(%arg0: i32) -> (i32, i32) {
    %c0_i32 = arith.constant 0 : i32
    %c0_i32_0 = arith.constant 0 : i32
    return %arg0, %c0_i32 : i32, i32
  }
}

</mosaic_0001>

<sc_bundles>
// kernel: kernel.5.cloned.1.call-start
scs
__scs_entry_jumppad:
0x0: {  	(pc) =	sbr.rel $0x88, $3  }
0x1: {  	(tag) =	ssettag $0x0;
	lr =	simm.s32 $0x1  }
0x2: {  	[smem:$0x3F98] =	sst lr;
	_ =	strace $0xD0000000  }
0x3: {  	_ = 	snop  }
0x4: {  	_ = 	snop  }
0x5: {  	_ = 	snop  }
0x6: {  	_ = 	snop  }
0x7: {  	_ = 	snop  }
__scs_overlays_trampoline_lowered:
0x8: {  	[smem:$0x3FA7] =	sst s0  }
0x9: {  	[smem:$0x3FA8] =	sst s1  }
0xa: {  	[smem:$0x3FA9] =	sst s2  }
0xb: {  	[smem:$0x3FAA] =	sst s3  }
0xc: {  	[smem:$0x3FAB] =	sst s4  }
0xd: {  	[smem:$0x3FAC] =	sst s5  }
0xe: {  	[smem:$0x3FAD] =	sst s6  }
0xf: {  	[smem:$0x3FAE] =	sst s7  }
0x10: {  	[smem:$0x3FAF] =	sst s8  }
0x11: {  	[smem:$0x3FB0] =	sst s9;
	s0 =	simm.s32 @!p0 $0x0  }
0x12: {  	s1 =	sld [smem:$0x3F96];
	s0 =	simm.s32 @p0 $0x1  }
0x13: {  	[smem:$0x3FB1] =	sst s0;
	s0 =	simm.s32 @!p1 $0x0  }
0x14: {  	s2 =	sld [smem:$0x3F95];
	s0 =	simm.s32 @p1 $0x1  }
0x15: {  	[smem:$0x3FB2] =	sst s0;
	s0 =	simm.s32 @!p2 $0x0  }
0x16: {  	s3 =	sld [smem:$0x3FDB];
	s0 =	simm.s32 @p2 $0x1  }
0x17: {  	s4 =	simm.s32 $0x1BF5;
	[smem:$0x3FB4] =	sst s0  }
0x18: {  	s0 =	sld [smem:$0x3F97];
	_ =	swait.ge [sflag:s4], $0x0  }
0x19: {  	s7 =	sld [smem:$0x3F98]  }
0x1a: {  	s8 =	sadd.s32 $0xFFFFE003, lr  }
0x1b: {  	s9 =	sadd.s32 $0xFFFFFEF7, lr;
	s5 =	simm.s32 $0xFFFFFFFF;
	p2 =	slt.u32 s8, $0xFFFFF086  }
0x1c: {  	p1 =	slt.u32 s9, $0xF7A;
	s5 =	simm.s32 @!p2 $0x0  }
0x1d: {  	s5 =	simm.s32 @p1 $0x1;
	p0 =	seq.s32 s7, s2  }
0x1e: {  	s7 =	smul.u32 @!p0 $0xF7A, s2;
	p2 =	seq.s32 @!p0 s5, $0x0  }
0x1f: {  	s9 =	smul.u32 $0xF7A, s1;
	s8 =	simm.s32 @!p0 $0x1BF5;
	p2 =	por !p2, p0  }
0x20: {  	[sflag:s8] =	ssyncset.s32 @!p0 $0xFFFFF086;
	s6 =	sadd.s32 @!p0 s3, s7;
	s7 =	simm.s32 @!p0 $0x108  }
0x21: {  	s3 =	sadd.s32 s3, s9;
	s6 =	sadd.s32 @!p0 $0x88, s6;
	s7 =	simm.s32 @p2 $0x1082  }
0x22: {  	[simem:s7], [sflag:s8] =	dma.local @!p0 [hbm:s6], $0xF7A  }
0x23: {  	s9 =	sor.u32 $0xD0000000, s2;
	s6 =	simm.s32 $0x108;
	_ =	swait.ge @!p0 [sflag:s8], $0x0  }
0x24: {  	s3 =	sadd.s32 $0x88, s3;
	s6 =	simm.s32 @!p1 $0x1082;
	[sflag:s4] =	ssyncset.s32 $0xFFFFF086  }
0x25: {  	[simem:s6], [sflag:s4] =	dma.local [hbm:s3], $0xF7A  }
0x26: {  	[smem:$0x3F98] =	sst s1;
	(tag) =	ssettag s2;
	_ =	strace s9  }
0x27: {  	s1 =	sld [smem:$0x3FA8]  }
0x28: {  	s2 =	sld [smem:$0x3FA9]  }
0x29: {  	s4 =	sld [smem:$0x3FAB]  }
0x2a: {  	p0 =	seq.s32 s5, $0x0;
	s5 =	sld [smem:$0x3FAC]  }
0x2b: {  	s6 =	sld [smem:$0x3FAD]  }
0x2c: {  	s7 =	sld [smem:$0x3FAE]  }
0x2d: {  	s3 =	simm.s32 $0x108;
	s8 =	sld [smem:$0x3FAF]  }
0x2e: {  	s3 =	simm.s32 @!p0 $0x1082;
	s9 =	sld [smem:$0x3FB0]  }
0x2f: {  	lr =	sadd.s32 s0, s3;
	s0 =	sld [smem:$0x3FA7]  }
0x30: {  	s3 =	sld [smem:$0x3FAA]  }
0x31: {  	[smem:$0x3FB3] =	sst s10  }
0x32: {  	s10 =	sld [smem:$0x3FB1];
	_ =	sdelay $0x3  }
0x33: {  	p0 =	seq.s32 s10, $0x1;
	s10 =	sld [smem:$0x3FB3];
	_ =	sdelay $0x3  }
0x34: {  	[smem:$0x3FB3] =	sst s10  }
0x35: {  	s10 =	sld [smem:$0x3FB2];
	_ =	sdelay $0x3  }
0x36: {  	p1 =	seq.s32 s10, $0x1;
	s10 =	sld [smem:$0x3FB3];
	_ =	sdelay $0x3  }
0x37: {  	[smem:$0x3FB3] =	sst s10  }
0x38: {  	s10 =	sld [smem:$0x3FB4]  }
0x39: {  	_ = 	snop;
	(pc) =	sbr.ind lr, $3  }
0x3a: {  	_ = 	snop  }
0x3b: {  	_ = 	snop  }
0x3c: {  	p2 =	seq.s32 s10, $0x1;
	s10 =	sld [smem:$0x3FB3]  }
0x3d: {  	_ =	shalt  }
0x3e: {  	_ =	shalt  }
0x3f: {  	_ =	shalt  }
0x40: {  	_ =	shalt  }
0x41: {  	_ =	shalt  }
0x42: {  	_ =	shalt  }
0x43: {  	_ =	shalt  }
0x44: {  	_ =	shalt  }
0x45: {  	_ =	shalt  }
0x46: {  	_ =	shalt  }
0x47: {  	_ =	shalt  }
0x48: {  	_ =	shalt  }
0x49: {  	_ =	shalt  }
0x4a: {  	_ =	shalt  }
0x4b: {  	_ =	shalt  }
0x4c: {  	_ =	shalt  }
0x4d: {  	_ =	shalt  }
0x4e: {  	_ =	shalt  }
0x4f: {  	_ =	shalt  }
0x50: {  	_ =	shalt  }
0x51: {  	_ =	shalt  }
0x52: {  	_ =	shalt  }
0x53: {  	_ =	shalt  }
0x54: {  	_ =	shalt  }
0x55: {  	_ =	shalt  }
0x56: {  	_ =	shalt  }
0x57: {  	_ =	shalt  }
0x58: {  	_ =	shalt  }
0x59: {  	_ =	shalt  }
0x5a: {  	_ =	shalt  }
0x5b: {  	_ =	shalt  }
0x5c: {  	_ =	shalt  }
0x5d: {  	_ =	shalt  }
0x5e: {  	_ =	shalt  }
0x5f: {  	_ =	shalt  }
0x60: {  	_ =	shalt  }
0x61: {  	_ =	shalt  }
0x62: {  	_ =	shalt  }
0x63: {  	_ =	shalt  }
0x64: {  	_ =	shalt  }
0x65: {  	_ =	shalt  }
0x66: {  	_ =	shalt  }
0x67: {  	_ =	shalt  }
0x68: {  	_ =	shalt  }
0x69: {  	_ =	shalt  }
0x6a: {  	_ =	shalt  }
0x6b: {  	_ =	shalt  }
0x6c: {  	_ =	shalt  }
0x6d: {  	_ =	shalt  }
0x6e: {  	_ =	shalt  }
0x6f: {  	_ =	shalt  }
0x70: {  	_ =	shalt  }
0x71: {  	_ =	shalt  }
0x72: {  	_ =	shalt  }
0x73: {  	_ =	shalt  }
0x74: {  	_ =	shalt  }
0x75: {  	_ =	shalt  }
0x76: {  	_ =	shalt  }
0x77: {  	_ =	shalt  }
0x78: {  	_ =	shalt  }
0x79: {  	_ =	shalt  }
0x7a: {  	_ =	shalt  }
0x7b: {  	_ =	shalt  }
0x7c: {  	_ =	shalt  }
0x7d: {  	_ =	shalt  }
0x7e: {  	_ =	shalt  }
0x7f: {  	_ =	shalt  }
0x80: {  	_ =	shalt  }
0x81: {  	_ =	shalt  }
0x82: {  	_ =	shalt  }
0x83: {  	_ =	shalt  }
0x84: {  	_ =	shalt  }
0x85: {  	_ =	shalt  }
0x86: {  	_ =	shalt  }
0x87: {  	_ =	shalt  }
.Lfunc_end0:
.L_simem_size_0:
called_computation_lowered:
.L_overlay_start_0:
0x88: {  	s2 =	sld [smem:$0x3FD9]  }
0x89: {  	s3 =	sld [smem:$0x3FFE];
	_ =	sdelay $0x1  }
0x8a: {  	s1 =	srdreg.scid  }
0x8b: {  	s0 =	sand.u32 $0x1, s1  }
0x8c: {  	s16 =	sshll.u32 s0, $0xA;
	s2 =	sadd.s32 s3, s2  }
0x8d: {  	s2 =	sadd.s32 s2, s16  }
0x8e: {  	[smem:$0x3FBF] =	sst s2  }
0x8f: {  	_ = 	snop  }
0x90: {  	(tm) =	ssettm $0x1  }
0x91: {  	s17 =	sld [smem:$0x3FFB];
	_ =	sdelay $0x3  }
0x92: {  	_ =	strace s17  }
0x93: {  	s2 =	sld [smem:$0x3FFC];
	_ =	sdelay $0x3  }
0x94: {  	_ =	strace s2  }
0x95: {  	s2 =	sld [smem:$0x3FFD];
	_ =	sdelay $0x3  }
0x96: {  	_ =	strace s2  }
0x97: {  	_ =	strace $0x8FFFFFFF  }
0x98: {  	s18 =	sld [smem:$0x3FDB];
	_ =	sdelay $0x1  }
0x99: {  	s19 =	simm.s32 $_scs_section_size  }
0x9a: {  	s4 =	simm.s32 $_size__tile_overlayer_lowered;
	s5 =	simm.s32 $_tile_overlayer_lowered  }
0x9b: {  	s22 =	simm.s32 $0x1BFF;
	s21 =	sshll.u32 s5, $0x1;
	s2 =	sadd.s32 s19, s18  }
0x9c: {  	s6 =	simm.s32 $0x0;
	s20 =	sshll.u32 s4, $0x1;
	s4 =	sadd.s32 s21, s2  }
0x9d: {  	[timem:s6], [sflag:s22] =	dma.local [hbm:s4], s20  }
0x9e: {  	_ =	swait.ge [sflag:s22], s20  }
0x9f: {  	s3 =	ssub.s32 $0x0, s20;
	[sflag:s22] =	ssyncset.done $0x0  }
0xa0: {  	[sflag:s22] =	ssyncadd.s32 s3;
	_ =	sdelay $0x1  }
0xa1: {  	s23 =	simm.s32 $0x1B8B  }
0xa2: {  	_ =	swait.ge [sflag:s23], $0x1  }
0xa3: {  	[sflag:s23] =	ssyncset.done $0x0  }
0xa4: {  	s25 =	simm.s32 $0x1B8E;
	s24 =	sld [smem:$0x3FFE];
	[sflag:s23] =	ssyncadd.s32 $0xFFFFFFFF  }
0xa5: {  	s26 =	simm.s32 $execute0_lowered;
	[smem:$0x3FD2] =	sst s25  }
0xa6: {  	s4 =	sshll.u32 s26, $0x1;
	_ =	strace $0x80000046;
	[dreg:$0x1] =	wrdreg $0xFFFFFFFF  }
0xa7: {  	s28 =	simm.s32 $_size_execute0_lowered;
	s2 =	sadd.s32 s2, s4;
	[dreg:$0x0] =	wrdreg $0x0  }
0xa8: {  	s4 =	sshll.u32 s28, $0x1;
	[dreg:$0x2] =	wrdreg s2  }
0xa9: {  	[dreg:$0x3] =	wrdreg s4  }
0xaa: {  	[dreg:$0x4] =	wrdreg $0xC0  }
0xab: {  	_ =	task [dreg:s6], $0x5FFFF  }
0xac: {  	[dreg:$0x1] =	wrdreg $0xFFFFFFFF  }
0xad: {  	[dreg:$0x0] =	wrdreg $0x60  }
0xae: {  	[dreg:$0x2] =	wrdreg s24  }
0xaf: {  	[dreg:$0x3] =	wrdreg $0x9  }
0xb0: {  	_ =	task.clear_ibuf [dreg:s6], $0x4FFFF;
	_ =	strace $0x90000046  }
0xb1: {  	s29 =	simm.s32 $0x9;
	_ =	strace $0x80000048  }
0xb2: {  	_ =	swait.ge [sflag:s29], $0x1  }
0xb3: {  	[sflag:s29] =	ssyncadd.s32 $0xFFFFFFFF  }
0xb4: {  	_ =	strace $0x90000048  }
0xb5: {  	_ =	sfence  }
0xb6: {  	s30 =	sld [smem:$0x0];
	_ =	sdelay $0x2  }
0xb7: {  	s31 =	sshll.u32 s1, $0xD;
	s1 =	sshrl.u32 s1, $0x2  }
0xb8: {  	s3 =	sand.u32 $0x4000, s31;
	s1 =	sadd.s32 s1, s30  }
0xb9: {  	s0 =	sor.u32 s3, s0;
	s1 =	sshll.u32 s1, $0x11  }
0xba: {  	s0 =	sor.u32 s1, s0  }
0xbb: {  	s0 =	sadd.s32 $0x8F2B, s0  }
0xbc: {  	[sflag:s0] =	ssyncadd.remote.s32 $0x1  }
0xbd: {  	_ =	sfence.sel $0xFFFF  }
0xbe: {  	[dreg:$0x0] =	wrdreg $0xFFFFFFFF;
	(pc) =	sbr.abs _section_cstart, $3  }
0xbf: {  	[dreg:$0x1] =	wrdreg $0xFFFFFFFF  }
0xc0: {  	_ =	task.clear_ibuf [dreg:s6], $0x2FFFF;
	_ =	strace $0x9FFFFFFF  }
0xc1: {  	(tm) =	ssettm $0x7FFFFFFF  }
tec
execute0_lowered:
.L_overlay_start_1:
0x0: {  	(tag) =	ssettag $0x1  }
0x1: {  	s1 =	srdreg.scid;
	s0 =	stileid.u32  }
0x2: {  	s5 =	rddreg [dreg:$0x0];
	s2 =	simm.s32 $0x0;
	s10 =	simm.s32 $0x5  }
0x3: {  	s11 =	simm.s32 $0x3400;
	s12 =	simm.s32 $0x40;
	s13 =	simm.s32 $0x9C00  }
0x4: {  	s14 =	simm.s32 $0xBC00;
	s15 =	simm.s32 $0xDC00;
	s16 =	simm.s32 $0xFC00  }
0x5: {  	s17 =	simm.s32 $0x1;
	s18 =	simm.s32 $0x11C00;
	s19 =	simm.s32 $0x2  }
0x6: {  	s20 =	simm.s32 $0x15C00;
	s1 =	sand.u32 $0x1, s1;
	s3 =	sshll.u32 s0, $0x1  }
0x7: {  	s21 =	simm.s32 $0x3;
	s22 =	simm.s32 $0x4;
	s8 =	sor.u32 s1, s3  }
0x8: {  	s23 =	simm.s32 $0x0;
	[smem:$0x7FF] =	sst s2;
	s3 =	smul.u32 $0x3400, s8  }
0x9: {  	s4 =	sadd.s32 $0x27D2000, s5;
	_ =	strace $0x80000047;
	s1 =	ssub.s32 $0x2, s1  }
0xa: {  	s7 =	sshrl.u32 s1, $0x1;
	s8 =	smul.u32 $0x1A0000, s8;
	s6 =	sshrl.u32 s3, $0x3  }
0xb: {  	v0 =	vlaneseq.u32;
	s1 =	ssub.s32 s1, s7;
	s9 =	sadd.s32 s6, s5;
	s5 =	sadd.s32 $0x1BC00, s5  }
0xc: {  	v0 =	vmul.u32 $0x80, v0;
	s6 =	sadd.s32 $0xEC00, s9;
	s7 =	sadd.s32 $0x1C00, s9;
	s9 =	smax.u32 s1, $0x1  }
.LBB2_1:
0xd: {  	[tilespmem:s2], [sflag:$0x5] =	stream.linear.gather [hbm4b:s6+s2], $0x3400, $0x38;
	[tilespmem:$0x19C00] =	vst v63  }
0xe: {  	_ =	swait.ge [sflag:s10], $0x3400  }
0xf: {  	[sflag:s10] =	ssyncset.done $0x0  }
0x10: {  	[sflag:s10] =	ssyncadd.s32 $0xFFFFCC00  }
0x11: {  	[tilespmem:s11], [sflag:$0x5] =	stream.linear.gather [hbm4b:s7+s2], $0x3400, $0x38;
	[tilespmem:$0x19C00] =	vst v63  }
0x12: {  	_ =	swait.ge [sflag:s10], $0x3400  }
0x13: {  	[sflag:s10] =	ssyncset.done $0x0  }
0x14: {  	s1 =	simm.s32 $0x0;
	[sflag:s10] =	ssyncadd.s32 $0xFFFFCC00  }
0x15: {  	s24 =	simm.s32 $0x40;
	v1 =	vld [tilespmem:s1+$0x3400]  }
.LBB2_2:
0x16: {  	p0 =	sne.s32 s24, $0xCFC0  }
.Ltmp0:
0x17: {  	_ = 	snop;
	(pc) =	sbr.rel @p0 .LBB2_2-.Ltmp0, $3  }
0x18: {  	_ =	sdelay $0x1  }
0x19: {  	s25 =	sshra.s32 s24, $0x2;
	s24 =	sadd.s32 $0x40, s24;
	v2 =	vshll.u32 v1, $0x5  }
0x1a: {  	v1 =	vld [tilespmem:s25+$0x3400];
	[tilespmem:s1+$0x6800] =	vst v2;
	s1 =	smov.u32 s25  }
0x1b: {  	_ =	sdelay $0x3  }
0x1c: {  	v1 =	vshll.u32 v1, $0x5  }
0x1d: {  	s24 =	simm.s32 $0x0;
	[tilespmem:s1+$0x6800] =	vst v1  }
0x1e: {  	[tilespmem:s13], [sflag:$0x1] =	stream.indirect.gather [hbm4b:s4+s12], $0x80, s24, s12, $0xb8;
	[tilespmem:$0x19C00] =	vst v63  }
0x1f: {  	s26 =	simm.s32 $0x6880;
	s29 =	simm.s32 $0x0;
	s1 =	simm.s32 $0x6800  }
0x20: {  	[tilespmem:s14], [sflag:$0x1] =	stream.indirect.gather [hbm4b:s4+s12], $0x80, s12, s12, $0xb8;
	[tilespmem:$0x19C00] =	vst v63  }
.LBB2_4:
0x21: {  	s30 =	sshll.u32 s29, $0x8  }
0x22: {  	s28 =	sor.u32 $0x80, s30  }
0x23: {  	[tilespmem:s15], [sflag:$0x2] =	stream.indirect.gather [hbm4b:s4+s12], $0x80, s28, s12, $0xb8;
	[tilespmem:$0x19C00] =	vst v63  }
0x24: {  	s25 =	sor.u32 $0xC0, s30  }
0x25: {  	[tilespmem:s16], [sflag:$0x2] =	stream.indirect.gather [hbm4b:s4+s12], $0x80, s25, s12, $0xb8;
	[tilespmem:$0x19C00] =	vst v63  }
0x26: {  	_ =	swait.ge [sflag:s17], $0x2000  }
0x27: {  	[sflag:s17] =	ssyncset.done $0x0  }
0x28: {  	[sflag:s17] =	ssyncadd.s32 $0xFFFFE000  }
0x29: {  	_ =	swait.ge [sflag:s17], $0x2000  }
0x2a: {  	p0 =	seq.s32 s29, $0x0;
	[sflag:s17] =	ssyncset.done $0x0  }
0x2b: {  	s25 =	simm.s32 @!p0 $0x3;
	[sflag:s17] =	ssyncadd.s32 $0xFFFFE000  }
0x2c: {  	_ =	swait.ge @!p0 [sflag:s25], $0x4000  }
0x2d: {  	[sflag:s25] =	ssyncset.done @!p0 $0x0  }
0x2e: {  	[sflag:s25] =	ssyncadd.s32 @!p0 $0xFFFFC000  }
0x2f: {  	v2 =	vld [tilespmem:s1+$0x0];
	_ =	sdelay $0x2  }
0x30: {  	v1 =	vmov s24  }
0x31: {  	v1 =	vshll.u32 v1, $0x7  }
0x32: {  	v1 =	vor.u32 v0, v1;
	v3 =	vand.u32 $0xFFFFFF80, v2  }
0x33: {  	v4 =	vand.u32 $0x7F, v2;
	v3 =	vadd.s32 v1, v3  }
0x34: {  	v3 =	vor.u32 v4, v3;
	_ =	sdelay $0x2  }
0x35: {  	v16 =	vadd.s32 $0x1, v2  }
0x36: {  	v5 =	vand.u32 $0xFFFFFF80, v16  }
0x37: {  	v5 =	vadd.s32 v1, v5;
	v4 =	vand.u32 $0x7F, v16;
	v3 =	vld.idx.msk [tilespmem:v3+s13+$0x0], $0xffff  }
0x38: {  	v4 =	vor.u32 v4, v5;
	_ =	sdelay $0x2  }
0x39: {  	v17 =	vadd.s32 $0x2, v2  }
0x3a: {  	v6 =	vand.u32 $0xFFFFFF80, v17;
	[tilespmem:v1+s18+$0x0] =	vst.idx.msk $0xffff, v3  }
0x3b: {  	v18 =	vor.u32 $0x1, v1;
	v5 =	vand.u32 $0x7F, v17;
	v3 =	vadd.s32 v1, v6;
	v4 =	vld.idx.msk [tilespmem:v4+s13+$0x0], $0xffff  }
0x3c: {  	v3 =	vor.u32 v5, v3;
	_ =	sdelay $0x2  }
0x3d: {  	v19 =	vadd.s32 $0x3, v2  }
0x3e: {  	v7 =	vand.u32 $0xFFFFFF80, v19;
	[tilespmem:v18+s18+$0x0] =	vst.idx.msk $0xffff, v4  }
0x3f: {  	v21 =	vor.u32 $0x2, v1;
	v20 =	vadd.s32 v1, v7;
	v5 =	vand.u32 $0x7F, v19;
	v3 =	vld.idx.msk [tilespmem:v3+s13+$0x0], $0xffff  }
0x40: {  	v4 =	vor.u32 v5, v20;
	_ =	sdelay $0x2  }
0x41: {  	v22 =	vadd.s32 $0x4, v2  }
0x42: {  	v23 =	vand.u32 $0xFFFFFF80, v22;
	[tilespmem:v21+s18+$0x0] =	vst.idx.msk $0xffff, v3  }
0x43: {  	v24 =	vor.u32 $0x3, v1;
	v5 =	vand.u32 $0x7F, v22;
	v3 =	vadd.s32 v1, v23;
	v4 =	vld.idx.msk [tilespmem:v4+s13+$0x0], $0xffff  }
0x44: {  	v3 =	vor.u32 v5, v3;
	_ =	sdelay $0x2  }
0x45: {  	v25 =	vadd.s32 $0x5, v2  }
0x46: {  	v26 =	vand.u32 $0xFFFFFF80, v25;
	[tilespmem:v24+s18+$0x0] =	vst.idx.msk $0xffff, v4  }
0x47: {  	v28 =	vor.u32 $0x4, v1;
	v27 =	vadd.s32 v1, v26;
	v5 =	vand.u32 $0x7F, v25;
	v3 =	vld.idx.msk [tilespmem:v3+s13+$0x0], $0xffff  }
0x48: {  	v4 =	vor.u32 v5, v27;
	_ =	sdelay $0x2  }
0x49: {  	v29 =	vadd.s32 $0x6, v2  }
0x4a: {  	v30 =	vand.u32 $0xFFFFFF80, v29;
	[tilespmem:v28+s18+$0x0] =	vst.idx.msk $0xffff, v3  }
0x4b: {  	v31 =	vor.u32 $0x5, v1;
	v5 =	vand.u32 $0x7F, v29;
	v3 =	vadd.s32 v1, v30;
	v4 =	vld.idx.msk [tilespmem:v4+s13+$0x0], $0xffff  }
0x4c: {  	v3 =	vor.u32 v5, v3;
	_ =	sdelay $0x2  }
0x4d: {  	v32 =	vadd.s32 $0x7, v2  }
0x4e: {  	v33 =	vand.u32 $0xFFFFFF80, v32;
	[tilespmem:v31+s18+$0x0] =	vst.idx.msk $0xffff, v4  }
0x4f: {  	v35 =	vor.u32 $0x6, v1;
	v34 =	vadd.s32 v1, v33;
	v5 =	vand.u32 $0x7F, v32;
	v3 =	vld.idx.msk [tilespmem:v3+s13+$0x0], $0xffff  }
0x50: {  	v4 =	vor.u32 v5, v34;
	_ =	sdelay $0x2  }
0x51: {  	v36 =	vadd.s32 $0x8, v2  }
0x52: {  	v37 =	vand.u32 $0xFFFFFF80, v36;
	[tilespmem:v35+s18+$0x0] =	vst.idx.msk $0xffff, v3  }
0x53: {  	v38 =	vor.u32 $0x7, v1;
	v5 =	vand.u32 $0x7F, v36;
	v3 =	vadd.s32 v1, v37;
	v4 =	vld.idx.msk [tilespmem:v4+s13+$0x0], $0xffff  }
0x54: {  	v3 =	vor.u32 v5, v3;
	_ =	sdelay $0x2  }
0x55: {  	v39 =	vadd.s32 $0x9, v2  }
0x56: {  	v40 =	vand.u32 $0xFFFFFF80, v39;
	[tilespmem:v38+s18+$0x0] =	vst.idx.msk $0xffff, v4  }
0x57: {  	v42 =	vor.u32 $0x8, v1;
	v41 =	vadd.s32 v1, v40;
	v5 =	vand.u32 $0x7F, v39;
	v3 =	vld.idx.msk [tilespmem:v3+s13+$0x0], $0xffff  }
0x58: {  	v4 =	vor.u32 v5, v41;
	_ =	sdelay $0x2  }
0x59: {  	v43 =	vadd.s32 $0xA, v2  }
0x5a: {  	v44 =	vand.u32 $0xFFFFFF80, v43;
	[tilespmem:v42+s18+$0x0] =	vst.idx.msk $0xffff, v3  }
0x5b: {  	v45 =	vor.u32 $0x9, v1;
	v5 =	vand.u32 $0x7F, v43;
	v3 =	vadd.s32 v1, v44;
	v4 =	vld.idx.msk [tilespmem:v4+s13+$0x0], $0xffff  }
0x5c: {  	v3 =	vor.u32 v5, v3;
	_ =	sdelay $0x2  }
0x5d: {  	v46 =	vadd.s32 $0xB, v2  }
0x5e: {  	v47 =	vand.u32 $0xFFFFFF80, v46;
	[tilespmem:v45+s18+$0x0] =	vst.idx.msk $0xffff, v4  }
0x5f: {  	v49 =	vor.u32 $0xA, v1;
	v48 =	vadd.s32 v1, v47;
	v5 =	vand.u32 $0x7F, v46;
	v3 =	vld.idx.msk [tilespmem:v3+s13+$0x0], $0xffff  }
0x60: {  	v4 =	vor.u32 v5, v48;
	_ =	sdelay $0x2  }
0x61: {  	v50 =	vadd.s32 $0xC, v2  }
0x62: {  	v51 =	vand.u32 $0xFFFFFF80, v50;
	[tilespmem:v49+s18+$0x0] =	vst.idx.msk $0xffff, v3  }
0x63: {  	v52 =	vor.u32 $0xB, v1;
	v5 =	vand.u32 $0x7F, v50;
	v3 =	vadd.s32 v1, v51;
	v4 =	vld.idx.msk [tilespmem:v4+s13+$0x0], $0xffff  }
0x64: {  	v3 =	vor.u32 v5, v3;
	_ =	sdelay $0x2  }
0x65: {  	v53 =	vadd.s32 $0xD, v2  }
0x66: {  	v54 =	vand.u32 $0xFFFFFF80, v53;
	[tilespmem:v52+s18+$0x0] =	vst.idx.msk $0xffff, v4  }
0x67: {  	v56 =	vor.u32 $0xC, v1;
	v55 =	vadd.s32 v1, v54;
	v5 =	vand.u32 $0x7F, v53;
	v3 =	vld.idx.msk [tilespmem:v3+s13+$0x0], $0xffff  }
0x68: {  	v4 =	vor.u32 v5, v55;
	_ =	sdelay $0x2  }
0x69: {  	v57 =	vadd.s32 $0xE, v2  }
0x6a: {  	v58 =	vand.u32 $0xFFFFFF80, v57;
	[tilespmem:v56+s18+$0x0] =	vst.idx.msk $0xffff, v3  }
0x6b: {  	v59 =	vor.u32 $0xD, v1;
	v5 =	vand.u32 $0x7F, v57;
	v3 =	vadd.s32 v1, v58;
	v4 =	vld.idx.msk [tilespmem:v4+s13+$0x0], $0xffff  }
0x6c: {  	v3 =	vor.u32 v5, v3;
	_ =	sdelay $0x2  }
0x6d: {  	v60 =	vadd.s32 $0xF, v2  }
0x6e: {  	v61 =	vand.u32 $0xFFFFFF80, v60;
	[tilespmem:v59+s18+$0x0] =	vst.idx.msk $0xffff, v4  }
0x6f: {  	v63 =	vor.u32 $0xE, v1;
	v62 =	vadd.s32 v1, v61;
	v5 =	vand.u32 $0x7F, v60;
	v3 =	vld.idx.msk [tilespmem:v3+s13+$0x0], $0xffff  }
0x70: {  	v4 =	vor.u32 v5, v62;
	_ =	sdelay $0x2  }
0x71: {  	v9 =	vadd.s32 $0x10, v2  }
0x72: {  	v10 =	vand.u32 $0xFFFFFF80, v9;
	[tilespmem:v63+s18+$0x0] =	vst.idx.msk $0xffff, v3  }
0x73: {  	v11 =	vor.u32 $0xF, v1;
	v5 =	vand.u32 $0x7F, v9;
	v3 =	vadd.s32 v1, v10;
	v4 =	vld.idx.msk [tilespmem:v4+s13+$0x0], $0xffff  }
0x74: {  	v3 =	vor.u32 v5, v3;
	_ =	sdelay $0x2  }
0x75: {  	v12 =	vadd.s32 $0x11, v2  }
0x76: {  	v13 =	vand.u32 $0xFFFFFF80, v12;
	[tilespmem:v11+s18+$0x0] =	vst.idx.msk $0xffff, v4  }
0x77: {  	v15 =	vor.u32 $0x10, v1;
	v14 =	vadd.s32 v1, v13;
	v5 =	vand.u32 $0x7F, v12;
	v3 =	vld.idx.msk [tilespmem:v3+s13+$0x0], $0xffff  }
0x78: {  	v4 =	vor.u32 v5, v14;
	_ =	sdelay $0x2  }
0x79: {  	v16 =	vadd.s32 $0x12, v2  }
0x7a: {  	v17 =	vand.u32 $0xFFFFFF80, v16;
	[tilespmem:v15+s18+$0x0] =	vst.idx.msk $0xffff, v3  }
0x7b: {  	v18 =	vor.u32 $0x11, v1;
	v5 =	vand.u32 $0x7F, v16;
	v3 =	vadd.s32 v1, v17;
	v4 =	vld.idx.msk [tilespmem:v4+s13+$0x0], $0xffff  }
0x7c: {  	v3 =	vor.u32 v5, v3;
	_ =	sdelay $0x2  }
0x7d: {  	v19 =	vadd.s32 $0x13, v2  }
0x7e: {  	v20 =	vand.u32 $0xFFFFFF80, v19;
	[tilespmem:v18+s18+$0x0] =	vst.idx.msk $0xffff, v4  }
0x7f: {  	v22 =	vor.u32 $0x12, v1;
	v21 =	vadd.s32 v1, v20;
	v5 =	vand.u32 $0x7F, v19;
	v3 =	vld.idx.msk [tilespmem:v3+s13+$0x0], $0xffff  }
0x80: {  	v4 =	vor.u32 v5, v21;
	_ =	sdelay $0x2  }
0x81: {  	v23 =	vadd.s32 $0x14, v2  }
0x82: {  	v24 =	vand.u32 $0xFFFFFF80, v23;
	[tilespmem:v22+s18+$0x0] =	vst.idx.msk $0xffff, v3  }
0x83: {  	v25 =	vor.u32 $0x13, v1;
	v5 =	vand.u32 $0x7F, v23;
	v3 =	vadd.s32 v1, v24;
	v4 =	vld.idx.msk [tilespmem:v4+s13+$0x0], $0xffff  }
0x84: {  	v3 =	vor.u32 v5, v3;
	_ =	sdelay $0x2  }
0x85: {  	v26 =	vadd.s32 $0x15, v2  }
0x86: {  	v27 =	vand.u32 $0xFFFFFF80, v26;
	[tilespmem:v25+s18+$0x0] =	vst.idx.msk $0xffff, v4  }
0x87: {  	v29 =	vor.u32 $0x14, v1;
	v28 =	vadd.s32 v1, v27;
	v5 =	vand.u32 $0x7F, v26;
	v3 =	vld.idx.msk [tilespmem:v3+s13+$0x0], $0xffff  }
0x88: {  	v4 =	vor.u32 v5, v28;
	_ =	sdelay $0x2  }
0x89: {  	v30 =	vadd.s32 $0x16, v2  }
0x8a: {  	v31 =	vand.u32 $0xFFFFFF80, v30;
	[tilespmem:v29+s18+$0x0] =	vst.idx.msk $0xffff, v3  }
0x8b: {  	v32 =	vor.u32 $0x15, v1;
	v5 =	vand.u32 $0x7F, v30;
	v3 =	vadd.s32 v1, v31;
	v4 =	vld.idx.msk [tilespmem:v4+s13+$0x0], $0xffff  }
0x8c: {  	v3 =	vor.u32 v5, v3;
	_ =	sdelay $0x2  }
0x8d: {  	v33 =	vadd.s32 $0x17, v2  }
0x8e: {  	v34 =	vand.u32 $0xFFFFFF80, v33;
	[tilespmem:v32+s18+$0x0] =	vst.idx.msk $0xffff, v4  }
0x8f: {  	v36 =	vor.u32 $0x16, v1;
	v35 =	vadd.s32 v1, v34;
	v5 =	vand.u32 $0x7F, v33;
	v3 =	vld.idx.msk [tilespmem:v3+s13+$0x0], $0xffff  }
0x90: {  	v4 =	vor.u32 v5, v35;
	_ =	sdelay $0x2  }
0x91: {  	v37 =	vadd.s32 $0x18, v2  }
0x92: {  	v38 =	vand.u32 $0xFFFFFF80, v37;
	[tilespmem:v36+s18+$0x0] =	vst.idx.msk $0xffff, v3  }
0x93: {  	v39 =	vor.u32 $0x17, v1;
	v5 =	vand.u32 $0x7F, v37;
	v3 =	vadd.s32 v1, v38;
	v4 =	vld.idx.msk [tilespmem:v4+s13+$0x0], $0xffff  }
0x94: {  	v3 =	vor.u32 v5, v3;
	_ =	sdelay $0x2  }
0x95: {  	v40 =	vadd.s32 $0x19, v2  }
0x96: {  	v41 =	vand.u32 $0xFFFFFF80, v40;
	[tilespmem:v39+s18+$0x0] =	vst.idx.msk $0xffff, v4  }
0x97: {  	v43 =	vor.u32 $0x18, v1;
	v42 =	vadd.s32 v1, v41;
	v5 =	vand.u32 $0x7F, v40;
	v3 =	vld.idx.msk [tilespmem:v3+s13+$0x0], $0xffff  }
0x98: {  	v4 =	vor.u32 v5, v42;
	_ =	sdelay $0x2  }
0x99: {  	v44 =	vadd.s32 $0x1A, v2  }
0x9a: {  	v45 =	vand.u32 $0xFFFFFF80, v44;
	[tilespmem:v43+s18+$0x0] =	vst.idx.msk $0xffff, v3  }
0x9b: {  	v46 =	vor.u32 $0x19, v1;
	v5 =	vand.u32 $0x7F, v44;
	v3 =	vadd.s32 v1, v45;
	v4 =	vld.idx.msk [tilespmem:v4+s13+$0x0], $0xffff  }
0x9c: {  	v3 =	vor.u32 v5, v3;
	_ =	sdelay $0x2  }
0x9d: {  	v47 =	vadd.s32 $0x1B, v2  }
0x9e: {  	v48 =	vand.u32 $0xFFFFFF80, v47;
	[tilespmem:v46+s18+$0x0] =	vst.idx.msk $0xffff, v4  }
0x9f: {  	v50 =	vor.u32 $0x1A, v1;
	v49 =	vadd.s32 v1, v48;
	v5 =	vand.u32 $0x7F, v47;
	v3 =	vld.idx.msk [tilespmem:v3+s13+$0x0], $0xffff  }
0xa0: {  	v4 =	vor.u32 v5, v49;
	_ =	sdelay $0x2  }
0xa1: {  	v51 =	vadd.s32 $0x1C, v2  }
0xa2: {  	v52 =	vand.u32 $0xFFFFFF80, v51;
	[tilespmem:v50+s18+$0x0] =	vst.idx.msk $0xffff, v3  }
0xa3: {  	v53 =	vor.u32 $0x1B, v1;
	v5 =	vand.u32 $0x7F, v51;
	v3 =	vadd.s32 v1, v52;
	v4 =	vld.idx.msk [tilespmem:v4+s13+$0x0], $0xffff  }
0xa4: {  	v3 =	vor.u32 v5, v3;
	_ =	sdelay $0x2  }
0xa5: {  	v54 =	vadd.s32 $0x1D, v2  }
0xa6: {  	v55 =	vand.u32 $0xFFFFFF80, v54;
	[tilespmem:v53+s18+$0x0] =	vst.idx.msk $0xffff, v4  }
0xa7: {  	v57 =	vor.u32 $0x1C, v1;
	v56 =	vadd.s32 v1, v55;
	v5 =	vand.u32 $0x7F, v54;
	v3 =	vld.idx.msk [tilespmem:v3+s13+$0x0], $0xffff  }
0xa8: {  	v4 =	vor.u32 v5, v56;
	_ =	sdelay $0x2  }
0xa9: {  	v58 =	vadd.s32 $0x1E, v2  }
0xaa: {  	v59 =	vand.u32 $0xFFFFFF80, v58;
	[tilespmem:v57+s18+$0x0] =	vst.idx.msk $0xffff, v3  }
0xab: {  	v60 =	vor.u32 $0x1D, v1;
	v5 =	vand.u32 $0x7F, v58;
	v3 =	vadd.s32 v1, v59;
	v4 =	vld.idx.msk [tilespmem:v4+s13+$0x0], $0xffff  }
0xac: {  	v3 =	vor.u32 v5, v3;
	_ =	sdelay $0x2  }
0xad: {  	v2 =	vadd.s32 $0x1F, v2  }
0xae: {  	v61 =	vand.u32 $0xFFFFFF80, v2;
	[tilespmem:v60+s18+$0x0] =	vst.idx.msk $0xffff, v4  }
0xaf: {  	v2 =	vand.u32 $0x7F, v2;
	v62 =	vadd.s32 v1, v61;
	v63 =	vor.u32 $0x1E, v1;
	v3 =	vld.idx.msk [tilespmem:v3+s13+$0x0], $0xffff  }
0xb0: {  	v2 =	vor.u32 v2, v62;
	_ =	sdelay $0x3  }
0xb1: {  	[tilespmem:v63+s18+$0x0] =	vst.idx.msk $0xffff, v3  }
0xb2: {  	s31 =	simm.s32 $0x10;
	s25 =	smov.u32 s1;
	v1 =	vor.u32 $0x1F, v1;
	v2 =	vld.idx.msk [tilespmem:v2+s13+$0x0], $0xffff  }
.LBB2_5:
0xb3: {  	_ =	sdelay $0x2  }
0xb4: {  	p1 =	sne.s32 s31, $0x70  }
0xb5: {  	s25 =	sadd.s32 $0x10, s25;
	s0 =	smov.u32 s31;
	s31 =	sadd.s32 $0x10, s31;
	[tilespmem:v1+s18+$0x0] =	vst.idx.msk $0xffff, v2  }
0xb6: {  	v2 =	vld [tilespmem:s25+$0x0];
	_ =	sdelay $0x2  }
0xb7: {  	v1 =	vmov s0  }
0xb8: {  	v1 =	vshll.u32 v1, $0x7  }
0xb9: {  	v1 =	vor.u32 v0, v1;
	v3 =	vand.u32 $0xFFFFFF80, v2;
	v5 =	vadd.s32 $0x1, v2  }
0xba: {  	v4 =	vand.u32 $0x7F, v2;
	v3 =	vadd.s32 v1, v3;
	v6 =	vand.u32 $0xFFFFFF80, v5  }
0xbb: {  	v7 =	vadd.s32 $0x2, v2;
	v3 =	vor.u32 v4, v3;
	v6 =	vadd.s32 v1, v6  }
0xbc: {  	v8 =	vadd.s32 $0x3, v2;
	v9 =	vadd.s32 $0x4, v2;
	v4 =	vand.u32 $0xFFFFFF80, v7  }
0xbd: {  	v11 =	vand.u32 $0xFFFFFF80, v9;
	v10 =	vadd.s32 v1, v4;
	v4 =	vand.u32 $0xFFFFFF80, v8  }
0xbe: {  	v11 =	vadd.s32 v1, v11;
	v12 =	vadd.s32 v1, v4;
	v4 =	vadd.s32 $0x5, v2  }
0xbf: {  	v52 =	vadd.s32 $0x6, v2;
	v48 =	vadd.s32 $0x7, v2;
	v13 =	vand.u32 $0xFFFFFF80, v4  }
0xc0: {  	v14 =	vand.u32 $0xFFFFFF80, v48;
	v54 =	vadd.s32 v1, v13;
	v13 =	vand.u32 $0xFFFFFF80, v52;
	v3 =	vld.idx.msk [tilespmem:v3+s13+$0x0], $0xffff  }
0xc1: {  	v5 =	vand.u32 $0x7F, v5;
	v51 =	vadd.s32 v1, v14;
	v53 =	vadd.s32 v1, v13  }
0xc2: {  	v49 =	vadd.s32 $0x8, v2;
	v46 =	vadd.s32 $0x9, v2;
	v5 =	vor.u32 v5, v6  }
0xc3: {  	v43 =	vadd.s32 $0xA, v2;
	v6 =	vand.u32 $0xFFFFFF80, v49;
	v13 =	vand.u32 $0xFFFFFF80, v46  }
0xc4: {  	v50 =	vadd.s32 v1, v6;
	v6 =	vand.u32 $0xFFFFFF80, v43;
	v47 =	vadd.s32 v1, v13  }
0xc5: {  	v42 =	vadd.s32 $0xB, v2;
	v39 =	vadd.s32 $0xC, v2;
	v45 =	vadd.s32 v1, v6  }
0xc6: {  	v36 =	vadd.s32 $0xD, v2;
	v6 =	vand.u32 $0xFFFFFF80, v39;
	[tilespmem:v1+s18+$0x0] =	vst.idx.msk $0xffff, v3;
	v3 =	vand.u32 $0xFFFFFF80, v42  }
0xc7: {  	v41 =	vadd.s32 v1, v6;
	v5 =	vld.idx.msk [tilespmem:v5+s13+$0x0], $0xffff;
	v44 =	vadd.s32 v1, v3;
	v3 =	vand.u32 $0xFFFFFF80, v36  }
0xc8: {  	v7 =	vand.u32 $0x7F, v7;
	v6 =	vor.u32 $0x1, v1;
	v40 =	vadd.s32 v1, v3  }
0xc9: {  	v37 =	vadd.s32 $0xE, v2;
	v34 =	vadd.s32 $0xF, v2;
	v3 =	vor.u32 v7, v10  }
0xca: {  	v31 =	vadd.s32 $0x10, v2;
	v7 =	vand.u32 $0xFFFFFF80, v37;
	v10 =	vand.u32 $0xFFFFFF80, v34  }
0xcb: {  	v38 =	vadd.s32 v1, v7;
	v35 =	vadd.s32 v1, v10;
	v7 =	vand.u32 $0xFFFFFF80, v31  }
0xcc: {  	v30 =	vadd.s32 $0x11, v2;
	v27 =	vadd.s32 $0x12, v2;
	v33 =	vadd.s32 v1, v7  }
0xcd: {  	v24 =	vadd.s32 $0x13, v2;
	[tilespmem:v6+s18+$0x0] =	vst.idx.msk $0xffff, v5;
	v5 =	vand.u32 $0xFFFFFF80, v30;
	v6 =	vand.u32 $0xFFFFFF80, v27  }
0xce: {  	v3 =	vld.idx.msk [tilespmem:v3+s13+$0x0], $0xffff;
	v32 =	vadd.s32 v1, v5;
	v29 =	vadd.s32 v1, v6;
	v5 =	vand.u32 $0xFFFFFF80, v24  }
0xcf: {  	v7 =	vand.u32 $0x7F, v8;
	v6 =	vor.u32 $0x2, v1;
	v28 =	vadd.s32 v1, v5  }
0xd0: {  	v25 =	vadd.s32 $0x14, v2;
	v22 =	vadd.s32 $0x15, v2;
	v5 =	vor.u32 v7, v12  }
0xd1: {  	v19 =	vadd.s32 $0x16, v2;
	v8 =	vand.u32 $0xFFFFFF80, v22;
	v7 =	vand.u32 $0xFFFFFF80, v25  }
0xd2: {  	v23 =	vadd.s32 v1, v8;
	v26 =	vadd.s32 v1, v7;
	v7 =	vand.u32 $0xFFFFFF80, v19  }
0xd3: {  	v18 =	vadd.s32 $0x17, v2;
	v15 =	vadd.s32 $0x18, v2;
	v21 =	vadd.s32 v1, v7  }
0xd4: {  	v12 =	vadd.s32 $0x19, v2;
	[tilespmem:v6+s18+$0x0] =	vst.idx.msk $0xffff, v3;
	v3 =	vand.u32 $0xFFFFFF80, v18;
	v6 =	vand.u32 $0xFFFFFF80, v15  }
0xd5: {  	v5 =	vld.idx.msk [tilespmem:v5+s13+$0x0], $0xffff;
	v20 =	vadd.s32 v1, v3;
	v17 =	vadd.s32 v1, v6;
	v3 =	vand.u32 $0xFFFFFF80, v12  }
0xd6: {  	v8 =	vor.u32 $0x3, v1;
	v6 =	vand.u32 $0x7F, v9;
	v16 =	vadd.s32 v1, v3  }
0xd7: {  	v13 =	vadd.s32 $0x1A, v2;
	v10 =	vadd.s32 $0x1B, v2;
	v55 =	vor.u32 v6, v11  }
0xd8: {  	v7 =	vadd.s32 $0x1C, v2;
	v3 =	vand.u32 $0xFFFFFF80, v13;
	v6 =	vand.u32 $0xFFFFFF80, v10  }
0xd9: {  	v14 =	vadd.s32 v1, v3;
	v11 =	vadd.s32 v1, v6;
	v3 =	vand.u32 $0xFFFFFF80, v7  }
0xda: {  	v6 =	vadd.s32 $0x1D, v2;
	v9 =	vadd.s32 v1, v3;
	v3 =	vadd.s32 $0x1E, v2  }
0xdb: {  	v2 =	vadd.s32 $0x1F, v2;
	v56 =	vand.u32 $0xFFFFFF80, v3;
	[tilespmem:v8+s18+$0x0] =	vst.idx.msk $0xffff, v5;
	v5 =	vand.u32 $0xFFFFFF80, v6  }
0xdc: {  	v55 =	vld.idx.msk [tilespmem:v55+s13+$0x0], $0xffff;
	v8 =	vadd.s32 v1, v5;
	v5 =	vadd.s32 v1, v56;
	v56 =	vand.u32 $0xFFFFFF80, v2  }
0xdd: {  	v57 =	vor.u32 $0x4, v1;
	v58 =	vand.u32 $0x7F, v4;
	v4 =	vadd.s32 v1, v56  }
0xde: {  	v54 =	vor.u32 v58, v54;
	_ =	sdelay $0x3  }
0xdf: {  	[tilespmem:v57+s18+$0x0] =	vst.idx.msk $0xffff, v55  }
0xe0: {  	v54 =	vld.idx.msk [tilespmem:v54+s13+$0x0], $0xffff  }
0xe1: {  	v52 =	vand.u32 $0x7F, v52;
	v55 =	vor.u32 $0x5, v1  }
0xe2: {  	v52 =	vor.u32 v52, v53;
	_ =	sdelay $0x3  }
0xe3: {  	[tilespmem:v55+s18+$0x0] =	vst.idx.msk $0xffff, v54  }
0xe4: {  	v52 =	vld.idx.msk [tilespmem:v52+s13+$0x0], $0xffff  }
0xe5: {  	v48 =	vand.u32 $0x7F, v48;
	v53 =	vor.u32 $0x6, v1  }
0xe6: {  	v48 =	vor.u32 v48, v51;
	_ =	sdelay $0x3  }
0xe7: {  	[tilespmem:v53+s18+$0x0] =	vst.idx.msk $0xffff, v52  }
0xe8: {  	v48 =	vld.idx.msk [tilespmem:v48+s13+$0x0], $0xffff  }
0xe9: {  	v51 =	vor.u32 $0x7, v1;
	v49 =	vand.u32 $0x7F, v49  }
0xea: {  	v49 =	vor.u32 v49, v50;
	_ =	sdelay $0x3  }
0xeb: {  	[tilespmem:v51+s18+$0x0] =	vst.idx.msk $0xffff, v48  }
0xec: {  	v48 =	vld.idx.msk [tilespmem:v49+s13+$0x0], $0xffff  }
0xed: {  	v46 =	vand.u32 $0x7F, v46;
	v49 =	vor.u32 $0x8, v1  }
0xee: {  	v46 =	vor.u32 v46, v47;
	_ =	sdelay $0x3  }
0xef: {  	[tilespmem:v49+s18+$0x0] =	vst.idx.msk $0xffff, v48  }
0xf0: {  	v46 =	vld.idx.msk [tilespmem:v46+s13+$0x0], $0xffff  }
0xf1: {  	v43 =	vand.u32 $0x7F, v43;
	v47 =	vor.u32 $0x9, v1  }
0xf2: {  	v43 =	vor.u32 v43, v45;
	_ =	sdelay $0x3  }
0xf3: {  	[tilespmem:v47+s18+$0x0] =	vst.idx.msk $0xffff, v46  }
0xf4: {  	v43 =	vld.idx.msk [tilespmem:v43+s13+$0x0], $0xffff  }
0xf5: {  	v45 =	vor.u32 $0xA, v1;
	v42 =	vand.u32 $0x7F, v42  }
0xf6: {  	v42 =	vor.u32 v42, v44;
	_ =	sdelay $0x3  }
0xf7: {  	[tilespmem:v45+s18+$0x0] =	vst.idx.msk $0xffff, v43  }
0xf8: {  	v42 =	vld.idx.msk [tilespmem:v42+s13+$0x0], $0xffff  }
0xf9: {  	v39 =	vand.u32 $0x7F, v39;
	v43 =	vor.u32 $0xB, v1  }
0xfa: {  	v39 =	vor.u32 v39, v41;
	_ =	sdelay $0x3  }
0xfb: {  	[tilespmem:v43+s18+$0x0] =	vst.idx.msk $0xffff, v42  }
0xfc: {  	v39 =	vld.idx.msk [tilespmem:v39+s13+$0x0], $0xffff  }
0xfd: {  	v41 =	vor.u32 $0xC, v1;
	v36 =	vand.u32 $0x7F, v36  }
0xfe: {  	v36 =	vor.u32 v36, v40;
	_ =	sdelay $0x3  }
0xff: {  	[tilespmem:v41+s18+$0x0] =	vst.idx.msk $0xffff, v39  }
0x100: {  	v36 =	vld.idx.msk [tilespmem:v36+s13+$0x0], $0xffff  }
0x101: {  	v37 =	vand.u32 $0x7F, v37;
	v39 =	vor.u32 $0xD, v1  }
0x102: {  	v37 =	vor.u32 v37, v38;
	_ =	sdelay $0x3  }
0x103: {  	[tilespmem:v39+s18+$0x0] =	vst.idx.msk $0xffff, v36  }
0x104: {  	v36 =	vld.idx.msk [tilespmem:v37+s13+$0x0], $0xffff  }
0x105: {  	v34 =	vand.u32 $0x7F, v34;
	v37 =	vor.u32 $0xE, v1  }
0x106: {  	v34 =	vor.u32 v34, v35;
	_ =	sdelay $0x3  }
0x107: {  	[tilespmem:v37+s18+$0x0] =	vst.idx.msk $0xffff, v36  }
0x108: {  	v34 =	vld.idx.msk [tilespmem:v34+s13+$0x0], $0xffff  }
0x109: {  	v31 =	vand.u32 $0x7F, v31;
	v35 =	vor.u32 $0xF, v1  }
0x10a: {  	v31 =	vor.u32 v31, v33;
	_ =	sdelay $0x3  }
0x10b: {  	[tilespmem:v35+s18+$0x0] =	vst.idx.msk $0xffff, v34  }
0x10c: {  	v31 =	vld.idx.msk [tilespmem:v31+s13+$0x0], $0xffff  }
0x10d: {  	v33 =	vor.u32 $0x10, v1;
	v30 =	vand.u32 $0x7F, v30  }
0x10e: {  	v30 =	vor.u32 v30, v32;
	_ =	sdelay $0x3  }
0x10f: {  	[tilespmem:v33+s18+$0x0] =	vst.idx.msk $0xffff, v31  }
0x110: {  	v30 =	vld.idx.msk [tilespmem:v30+s13+$0x0], $0xffff  }
0x111: {  	v27 =	vand.u32 $0x7F, v27;
	v31 =	vor.u32 $0x11, v1  }
0x112: {  	v27 =	vor.u32 v27, v29;
	_ =	sdelay $0x3  }
0x113: {  	[tilespmem:v31+s18+$0x0] =	vst.idx.msk $0xffff, v30  }
0x114: {  	v27 =	vld.idx.msk [tilespmem:v27+s13+$0x0], $0xffff  }
0x115: {  	v24 =	vand.u32 $0x7F, v24;
	v29 =	vor.u32 $0x12, v1  }
0x116: {  	v24 =	vor.u32 v24, v28;
	_ =	sdelay $0x3  }
0x117: {  	[tilespmem:v29+s18+$0x0] =	vst.idx.msk $0xffff, v27  }
0x118: {  	v24 =	vld.idx.msk [tilespmem:v24+s13+$0x0], $0xffff  }
0x119: {  	v25 =	vand.u32 $0x7F, v25;
	v27 =	vor.u32 $0x13, v1  }
0x11a: {  	v25 =	vor.u32 v25, v26;
	_ =	sdelay $0x3  }
0x11b: {  	[tilespmem:v27+s18+$0x0] =	vst.idx.msk $0xffff, v24  }
0x11c: {  	v24 =	vld.idx.msk [tilespmem:v25+s13+$0x0], $0xffff  }
0x11d: {  	v22 =	vand.u32 $0x7F, v22;
	v25 =	vor.u32 $0x14, v1  }
0x11e: {  	v22 =	vor.u32 v22, v23;
	_ =	sdelay $0x3  }
0x11f: {  	[tilespmem:v25+s18+$0x0] =	vst.idx.msk $0xffff, v24  }
0x120: {  	v22 =	vld.idx.msk [tilespmem:v22+s13+$0x0], $0xffff  }
0x121: {  	v23 =	vor.u32 $0x15, v1;
	v19 =	vand.u32 $0x7F, v19  }
0x122: {  	v19 =	vor.u32 v19, v21;
	_ =	sdelay $0x3  }
0x123: {  	[tilespmem:v23+s18+$0x0] =	vst.idx.msk $0xffff, v22  }
0x124: {  	v19 =	vld.idx.msk [tilespmem:v19+s13+$0x0], $0xffff  }
0x125: {  	v21 =	vor.u32 $0x16, v1;
	v18 =	vand.u32 $0x7F, v18  }
0x126: {  	v18 =	vor.u32 v18, v20;
	_ =	sdelay $0x3  }
0x127: {  	[tilespmem:v21+s18+$0x0] =	vst.idx.msk $0xffff, v19  }
0x128: {  	v18 =	vld.idx.msk [tilespmem:v18+s13+$0x0], $0xffff  }
0x129: {  	v15 =	vand.u32 $0x7F, v15;
	v19 =	vor.u32 $0x17, v1  }
0x12a: {  	v15 =	vor.u32 v15, v17;
	_ =	sdelay $0x3  }
0x12b: {  	[tilespmem:v19+s18+$0x0] =	vst.idx.msk $0xffff, v18  }
0x12c: {  	v15 =	vld.idx.msk [tilespmem:v15+s13+$0x0], $0xffff  }
0x12d: {  	v12 =	vand.u32 $0x7F, v12;
	v17 =	vor.u32 $0x18, v1  }
0x12e: {  	v12 =	vor.u32 v12, v16;
	_ =	sdelay $0x3  }
0x12f: {  	[tilespmem:v17+s18+$0x0] =	vst.idx.msk $0xffff, v15  }
0x130: {  	v12 =	vld.idx.msk [tilespmem:v12+s13+$0x0], $0xffff  }
0x131: {  	v13 =	vand.u32 $0x7F, v13;
	v15 =	vor.u32 $0x19, v1  }
0x132: {  	v13 =	vor.u32 v13, v14;
	_ =	sdelay $0x3  }
0x133: {  	[tilespmem:v15+s18+$0x0] =	vst.idx.msk $0xffff, v12  }
0x134: {  	v12 =	vld.idx.msk [tilespmem:v13+s13+$0x0], $0xffff  }
0x135: {  	v10 =	vand.u32 $0x7F, v10;
	v13 =	vor.u32 $0x1A, v1  }
0x136: {  	v10 =	vor.u32 v10, v11;
	_ =	sdelay $0x3  }
0x137: {  	[tilespmem:v13+s18+$0x0] =	vst.idx.msk $0xffff, v12  }
0x138: {  	v10 =	vld.idx.msk [tilespmem:v10+s13+$0x0], $0xffff  }
0x139: {  	v7 =	vand.u32 $0x7F, v7;
	v11 =	vor.u32 $0x1B, v1  }
0x13a: {  	v7 =	vor.u32 v7, v9;
	_ =	sdelay $0x3  }
0x13b: {  	[tilespmem:v11+s18+$0x0] =	vst.idx.msk $0xffff, v10  }
0x13c: {  	v7 =	vld.idx.msk [tilespmem:v7+s13+$0x0], $0xffff  }
0x13d: {  	v9 =	vor.u32 $0x1C, v1;
	v6 =	vand.u32 $0x7F, v6  }
0x13e: {  	v6 =	vor.u32 v6, v8;
	_ =	sdelay $0x3  }
0x13f: {  	[tilespmem:v9+s18+$0x0] =	vst.idx.msk $0xffff, v7  }
0x140: {  	v6 =	vld.idx.msk [tilespmem:v6+s13+$0x0], $0xffff  }
0x141: {  	v3 =	vand.u32 $0x7F, v3;
	v7 =	vor.u32 $0x1D, v1  }
0x142: {  	v3 =	vor.u32 v3, v5;
	_ =	sdelay $0x3  }
0x143: {  	[tilespmem:v7+s18+$0x0] =	vst.idx.msk $0xffff, v6  }
0x144: {  	v3 =	vld.idx.msk [tilespmem:v3+s13+$0x0], $0xffff  }
0x145: {  	v2 =	vand.u32 $0x7F, v2;
	v5 =	vor.u32 $0x1E, v1  }
0x146: {  	v2 =	vor.u32 v2, v4;
	_ =	sdelay $0x1  }
.Ltmp1:
0x147: {  	(pc) =	sbr.rel @p1 .LBB2_5-.Ltmp1, $4  }
0x148: {  	_ = 	snop  }
0x149: {  	[tilespmem:v5+s18+$0x0] =	vst.idx.msk $0xffff, v3  }
0x14a: {  	v2 =	vld.idx.msk [tilespmem:v2+s13+$0x0], $0xffff  }
0x14b: {  	v1 =	vor.u32 $0x1F, v1  }
0x14c: {  	_ = 	snop  }
0x14d: {  	s0 =	sshll.u32 s29, $0xF  }
0x14e: {  	s0 =	sadd.s32 s8, s0  }
0x14f: {  	s0 =	sshrl.u32 s0, $0x3  }
0x150: {  	p1 =	seq.s32 s29, $0x33;
	[tilespmem:v1+s18+$0x0] =	vst.idx.msk $0xffff, v2;
	s0 =	sadd.s32 s5, s0  }
0x151: {  	[hbm4b:s0+s2] =	stream.linear.scatter [tilespmem:s18], [sflag:$0x3], $0x4000, $0x38;
	[tilespmem:$0x19C00] =	vst v63  }
0x152: {  	s25 =	simm.s32 @!p1 $0x40;
	s31 =	simm.s32 @!p1 $0x9C00;
	s0 =	sadd.s32 @!p1 $0x100, s30  }
0x153: {  	[tilespmem:s31], [sflag:$0x1] =	stream.indirect.gather @!p1 [hbm4b:s4+s25], $0x80, s0, s25, $0xb8;
	[tilespmem:$0x19C00] =	vst v63  }
0x154: {  	s0 =	sadd.s32 @!p1 $0x140, s30;
	s30 =	simm.s32 @!p1 $0xBC00  }
0x155: {  	[tilespmem:s30], [sflag:$0x1] =	stream.indirect.gather @!p1 [hbm4b:s4+s25], $0x80, s0, s25, $0xb8;
	[tilespmem:$0x19C00] =	vst v63  }
0x156: {  	_ =	swait.ge [sflag:s19], $0x2000  }
0x157: {  	[sflag:s19] =	ssyncset.done $0x0  }
0x158: {  	[sflag:s19] =	ssyncadd.s32 $0xFFFFE000  }
0x159: {  	_ =	swait.ge [sflag:s19], $0x2000  }
0x15a: {  	[sflag:s19] =	ssyncset.done $0x0  }
0x15b: {  	s0 =	simm.s32 @!p0 $0x4;
	[sflag:s19] =	ssyncadd.s32 $0xFFFFE000  }
0x15c: {  	_ =	swait.ge @!p0 [sflag:s0], $0x4000  }
0x15d: {  	[sflag:s0] =	ssyncset.done @!p0 $0x0  }
0x15e: {  	[sflag:s0] =	ssyncadd.s32 @!p0 $0xFFFFC000  }
0x15f: {  	v2 =	vld [tilespmem:s26+$0x0];
	_ =	sdelay $0x1  }
0x160: {  	s31 =	simm.s32 $0x0  }
0x161: {  	v1 =	vmov s31  }
0x162: {  	v1 =	vshll.u32 v1, $0x7  }
0x163: {  	v1 =	vor.u32 v0, v1;
	v3 =	vand.u32 $0xFFFFFF80, v2  }
0x164: {  	v4 =	vand.u32 $0x7F, v2;
	v3 =	vadd.s32 v1, v3  }
0x165: {  	v3 =	vor.u32 v4, v3;
	_ =	sdelay $0x2  }
0x166: {  	v16 =	vadd.s32 $0x1, v2  }
0x167: {  	v5 =	vand.u32 $0xFFFFFF80, v16  }
0x168: {  	v5 =	vadd.s32 v1, v5;
	v4 =	vand.u32 $0x7F, v16;
	v3 =	vld.idx.msk [tilespmem:v3+s15+$0x0], $0xffff  }
0x169: {  	v4 =	vor.u32 v4, v5;
	_ =	sdelay $0x2  }
0x16a: {  	v17 =	vadd.s32 $0x2, v2  }
0x16b: {  	v6 =	vand.u32 $0xFFFFFF80, v17;
	[tilespmem:v1+s20+$0x0] =	vst.idx.msk $0xffff, v3  }
0x16c: {  	v18 =	vor.u32 $0x1, v1;
	v5 =	vand.u32 $0x7F, v17;
	v3 =	vadd.s32 v1, v6;
	v4 =	vld.idx.msk [tilespmem:v4+s15+$0x0], $0xffff  }
0x16d: {  	v3 =	vor.u32 v5, v3;
	_ =	sdelay $0x2  }
0x16e: {  	v19 =	vadd.s32 $0x3, v2  }
0x16f: {  	v7 =	vand.u32 $0xFFFFFF80, v19;
	[tilespmem:v18+s20+$0x0] =	vst.idx.msk $0xffff, v4  }
0x170: {  	v21 =	vor.u32 $0x2, v1;
	v20 =	vadd.s32 v1, v7;
	v5 =	vand.u32 $0x7F, v19;
	v3 =	vld.idx.msk [tilespmem:v3+s15+$0x0], $0xffff  }
0x171: {  	v4 =	vor.u32 v5, v20;
	_ =	sdelay $0x2  }
0x172: {  	v22 =	vadd.s32 $0x4, v2  }
0x173: {  	v23 =	vand.u32 $0xFFFFFF80, v22;
	[tilespmem:v21+s20+$0x0] =	vst.idx.msk $0xffff, v3  }
0x174: {  	v24 =	vor.u32 $0x3, v1;
	v5 =	vand.u32 $0x7F, v22;
	v3 =	vadd.s32 v1, v23;
	v4 =	vld.idx.msk [tilespmem:v4+s15+$0x0], $0xffff  }
0x175: {  	v3 =	vor.u32 v5, v3;
	_ =	sdelay $0x2  }
0x176: {  	v25 =	vadd.s32 $0x5, v2  }
0x177: {  	v26 =	vand.u32 $0xFFFFFF80, v25;
	[tilespmem:v24+s20+$0x0] =	vst.idx.msk $0xffff, v4  }
0x178: {  	v28 =	vor.u32 $0x4, v1;
	v27 =	vadd.s32 v1, v26;
	v5 =	vand.u32 $0x7F, v25;
	v3 =	vld.idx.msk [tilespmem:v3+s15+$0x0], $0xffff  }
0x179: {  	v4 =	vor.u32 v5, v27;
	_ =	sdelay $0x2  }
0x17a: {  	v29 =	vadd.s32 $0x6, v2  }
0x17b: {  	v30 =	vand.u32 $0xFFFFFF80, v29;
	[tilespmem:v28+s20+$0x0] =	vst.idx.msk $0xffff, v3  }
0x17c: {  	v31 =	vor.u32 $0x5, v1;
	v5 =	vand.u32 $0x7F, v29;
	v3 =	vadd.s32 v1, v30;
	v4 =	vld.idx.msk [tilespmem:v4+s15+$0x0], $0xffff  }
0x17d: {  	v3 =	vor.u32 v5, v3;
	_ =	sdelay $0x2  }
0x17e: {  	v32 =	vadd.s32 $0x7, v2  }
0x17f: {  	v33 =	vand.u32 $0xFFFFFF80, v32;
	[tilespmem:v31+s20+$0x0] =	vst.idx.msk $0xffff, v4  }
0x180: {  	v35 =	vor.u32 $0x6, v1;
	v34 =	vadd.s32 v1, v33;
	v5 =	vand.u32 $0x7F, v32;
	v3 =	vld.idx.msk [tilespmem:v3+s15+$0x0], $0xffff  }
0x181: {  	v4 =	vor.u32 v5, v34;
	_ =	sdelay $0x2  }
0x182: {  	v36 =	vadd.s32 $0x8, v2  }
0x183: {  	v37 =	vand.u32 $0xFFFFFF80, v36;
	[tilespmem:v35+s20+$0x0] =	vst.idx.msk $0xffff, v3  }
0x184: {  	v38 =	vor.u32 $0x7, v1;
	v5 =	vand.u32 $0x7F, v36;
	v3 =	vadd.s32 v1, v37;
	v4 =	vld.idx.msk [tilespmem:v4+s15+$0x0], $0xffff  }
0x185: {  	v3 =	vor.u32 v5, v3;
	_ =	sdelay $0x2  }
0x186: {  	v39 =	vadd.s32 $0x9, v2  }
0x187: {  	v40 =	vand.u32 $0xFFFFFF80, v39;
	[tilespmem:v38+s20+$0x0] =	vst.idx.msk $0xffff, v4  }
0x188: {  	v42 =	vor.u32 $0x8, v1;
	v41 =	vadd.s32 v1, v40;
	v5 =	vand.u32 $0x7F, v39;
	v3 =	vld.idx.msk [tilespmem:v3+s15+$0x0], $0xffff  }
0x189: {  	v4 =	vor.u32 v5, v41;
	_ =	sdelay $0x2  }
0x18a: {  	v43 =	vadd.s32 $0xA, v2  }
0x18b: {  	v44 =	vand.u32 $0xFFFFFF80, v43;
	[tilespmem:v42+s20+$0x0] =	vst.idx.msk $0xffff, v3  }
0x18c: {  	v45 =	vor.u32 $0x9, v1;
	v5 =	vand.u32 $0x7F, v43;
	v3 =	vadd.s32 v1, v44;
	v4 =	vld.idx.msk [tilespmem:v4+s15+$0x0], $0xffff  }
0x18d: {  	v3 =	vor.u32 v5, v3;
	_ =	sdelay $0x2  }
0x18e: {  	v46 =	vadd.s32 $0xB, v2  }
0x18f: {  	v47 =	vand.u32 $0xFFFFFF80, v46;
	[tilespmem:v45+s20+$0x0] =	vst.idx.msk $0xffff, v4  }
0x190: {  	v49 =	vor.u32 $0xA, v1;
	v48 =	vadd.s32 v1, v47;
	v5 =	vand.u32 $0x7F, v46;
	v3 =	vld.idx.msk [tilespmem:v3+s15+$0x0], $0xffff  }
0x191: {  	v4 =	vor.u32 v5, v48;
	_ =	sdelay $0x2  }
0x192: {  	v50 =	vadd.s32 $0xC, v2  }
0x193: {  	v51 =	vand.u32 $0xFFFFFF80, v50;
	[tilespmem:v49+s20+$0x0] =	vst.idx.msk $0xffff, v3  }
0x194: {  	v52 =	vor.u32 $0xB, v1;
	v5 =	vand.u32 $0x7F, v50;
	v3 =	vadd.s32 v1, v51;
	v4 =	vld.idx.msk [tilespmem:v4+s15+$0x0], $0xffff  }
0x195: {  	v3 =	vor.u32 v5, v3;
	_ =	sdelay $0x2  }
0x196: {  	v53 =	vadd.s32 $0xD, v2  }
0x197: {  	v54 =	vand.u32 $0xFFFFFF80, v53;
	[tilespmem:v52+s20+$0x0] =	vst.idx.msk $0xffff, v4  }
0x198: {  	v56 =	vor.u32 $0xC, v1;
	v55 =	vadd.s32 v1, v54;
	v5 =	vand.u32 $0x7F, v53;
	v3 =	vld.idx.msk [tilespmem:v3+s15+$0x0], $0xffff  }
0x199: {  	v4 =	vor.u32 v5, v55;
	_ =	sdelay $0x2  }
0x19a: {  	v57 =	vadd.s32 $0xE, v2  }
0x19b: {  	v58 =	vand.u32 $0xFFFFFF80, v57;
	[tilespmem:v56+s20+$0x0] =	vst.idx.msk $0xffff, v3  }
0x19c: {  	v59 =	vor.u32 $0xD, v1;
	v5 =	vand.u32 $0x7F, v57;
	v3 =	vadd.s32 v1, v58;
	v4 =	vld.idx.msk [tilespmem:v4+s15+$0x0], $0xffff  }
0x19d: {  	v3 =	vor.u32 v5, v3;
	_ =	sdelay $0x2  }
0x19e: {  	v60 =	vadd.s32 $0xF, v2  }
0x19f: {  	v61 =	vand.u32 $0xFFFFFF80, v60;
	[tilespmem:v59+s20+$0x0] =	vst.idx.msk $0xffff, v4  }
0x1a0: {  	v63 =	vor.u32 $0xE, v1;
	v62 =	vadd.s32 v1, v61;
	v5 =	vand.u32 $0x7F, v60;
	v3 =	vld.idx.msk [tilespmem:v3+s15+$0x0], $0xffff  }
0x1a1: {  	v4 =	vor.u32 v5, v62;
	_ =	sdelay $0x2  }
0x1a2: {  	v9 =	vadd.s32 $0x10, v2  }
0x1a3: {  	v10 =	vand.u32 $0xFFFFFF80, v9;
	[tilespmem:v63+s20+$0x0] =	vst.idx.msk $0xffff, v3  }
0x1a4: {  	v11 =	vor.u32 $0xF, v1;
	v5 =	vand.u32 $0x7F, v9;
	v3 =	vadd.s32 v1, v10;
	v4 =	vld.idx.msk [tilespmem:v4+s15+$0x0], $0xffff  }
0x1a5: {  	v3 =	vor.u32 v5, v3;
	_ =	sdelay $0x2  }
0x1a6: {  	v12 =	vadd.s32 $0x11, v2  }
0x1a7: {  	v13 =	vand.u32 $0xFFFFFF80, v12;
	[tilespmem:v11+s20+$0x0] =	vst.idx.msk $0xffff, v4  }
0x1a8: {  	v15 =	vor.u32 $0x10, v1;
	v14 =	vadd.s32 v1, v13;
	v5 =	vand.u32 $0x7F, v12;
	v3 =	vld.idx.msk [tilespmem:v3+s15+$0x0], $0xffff  }
0x1a9: {  	v4 =	vor.u32 v5, v14;
	_ =	sdelay $0x2  }
0x1aa: {  	v16 =	vadd.s32 $0x12, v2  }
0x1ab: {  	v17 =	vand.u32 $0xFFFFFF80, v16;
	[tilespmem:v15+s20+$0x0] =	vst.idx.msk $0xffff, v3  }
0x1ac: {  	v18 =	vor.u32 $0x11, v1;
	v5 =	vand.u32 $0x7F, v16;
	v3 =	vadd.s32 v1, v17;
	v4 =	vld.idx.msk [tilespmem:v4+s15+$0x0], $0xffff  }
0x1ad: {  	v3 =	vor.u32 v5, v3;
	_ =	sdelay $0x2  }
0x1ae: {  	v19 =	vadd.s32 $0x13, v2  }
0x1af: {  	v20 =	vand.u32 $0xFFFFFF80, v19;
	[tilespmem:v18+s20+$0x0] =	vst.idx.msk $0xffff, v4  }
0x1b0: {  	v22 =	vor.u32 $0x12, v1;
	v21 =	vadd.s32 v1, v20;
	v5 =	vand.u32 $0x7F, v19;
	v3 =	vld.idx.msk [tilespmem:v3+s15+$0x0], $0xffff  }
0x1b1: {  	v4 =	vor.u32 v5, v21;
	_ =	sdelay $0x2  }
0x1b2: {  	v23 =	vadd.s32 $0x14, v2  }
0x1b3: {  	v24 =	vand.u32 $0xFFFFFF80, v23;
	[tilespmem:v22+s20+$0x0] =	vst.idx.msk $0xffff, v3  }
0x1b4: {  	v25 =	vor.u32 $0x13, v1;
	v5 =	vand.u32 $0x7F, v23;
	v3 =	vadd.s32 v1, v24;
	v4 =	vld.idx.msk [tilespmem:v4+s15+$0x0], $0xffff  }
0x1b5: {  	v3 =	vor.u32 v5, v3;
	_ =	sdelay $0x2  }
0x1b6: {  	v26 =	vadd.s32 $0x15, v2  }
0x1b7: {  	v27 =	vand.u32 $0xFFFFFF80, v26;
	[tilespmem:v25+s20+$0x0] =	vst.idx.msk $0xffff, v4  }
0x1b8: {  	v29 =	vor.u32 $0x14, v1;
	v28 =	vadd.s32 v1, v27;
	v5 =	vand.u32 $0x7F, v26;
	v3 =	vld.idx.msk [tilespmem:v3+s15+$0x0], $0xffff  }
0x1b9: {  	v4 =	vor.u32 v5, v28;
	_ =	sdelay $0x2  }
0x1ba: {  	v30 =	vadd.s32 $0x16, v2  }
0x1bb: {  	v31 =	vand.u32 $0xFFFFFF80, v30;
	[tilespmem:v29+s20+$0x0] =	vst.idx.msk $0xffff, v3  }
0x1bc: {  	v32 =	vor.u32 $0x15, v1;
	v5 =	vand.u32 $0x7F, v30;
	v3 =	vadd.s32 v1, v31;
	v4 =	vld.idx.msk [tilespmem:v4+s15+$0x0], $0xffff  }
0x1bd: {  	v3 =	vor.u32 v5, v3;
	_ =	sdelay $0x2  }
0x1be: {  	v33 =	vadd.s32 $0x17, v2  }
0x1bf: {  	v34 =	vand.u32 $0xFFFFFF80, v33;
	[tilespmem:v32+s20+$0x0] =	vst.idx.msk $0xffff, v4  }
0x1c0: {  	v36 =	vor.u32 $0x16, v1;
	v35 =	vadd.s32 v1, v34;
	v5 =	vand.u32 $0x7F, v33;
	v3 =	vld.idx.msk [tilespmem:v3+s15+$0x0], $0xffff  }
0x1c1: {  	v4 =	vor.u32 v5, v35;
	_ =	sdelay $0x2  }
0x1c2: {  	v37 =	vadd.s32 $0x18, v2  }
0x1c3: {  	v38 =	vand.u32 $0xFFFFFF80, v37;
	[tilespmem:v36+s20+$0x0] =	vst.idx.msk $0xffff, v3  }
0x1c4: {  	v39 =	vor.u32 $0x17, v1;
	v5 =	vand.u32 $0x7F, v37;
	v3 =	vadd.s32 v1, v38;
	v4 =	vld.idx.msk [tilespmem:v4+s15+$0x0], $0xffff  }
0x1c5: {  	v3 =	vor.u32 v5, v3;
	_ =	sdelay $0x2  }
0x1c6: {  	v40 =	vadd.s32 $0x19, v2  }
0x1c7: {  	v41 =	vand.u32 $0xFFFFFF80, v40;
	[tilespmem:v39+s20+$0x0] =	vst.idx.msk $0xffff, v4  }
0x1c8: {  	v43 =	vor.u32 $0x18, v1;
	v42 =	vadd.s32 v1, v41;
	v5 =	vand.u32 $0x7F, v40;
	v3 =	vld.idx.msk [tilespmem:v3+s15+$0x0], $0xffff  }
0x1c9: {  	v4 =	vor.u32 v5, v42;
	_ =	sdelay $0x2  }
0x1ca: {  	v44 =	vadd.s32 $0x1A, v2  }
0x1cb: {  	v45 =	vand.u32 $0xFFFFFF80, v44;
	[tilespmem:v43+s20+$0x0] =	vst.idx.msk $0xffff, v3  }
0x1cc: {  	v46 =	vor.u32 $0x19, v1;
	v5 =	vand.u32 $0x7F, v44;
	v3 =	vadd.s32 v1, v45;
	v4 =	vld.idx.msk [tilespmem:v4+s15+$0x0], $0xffff  }
0x1cd: {  	v3 =	vor.u32 v5, v3;
	_ =	sdelay $0x2  }
0x1ce: {  	v47 =	vadd.s32 $0x1B, v2  }
0x1cf: {  	v48 =	vand.u32 $0xFFFFFF80, v47;
	[tilespmem:v46+s20+$0x0] =	vst.idx.msk $0xffff, v4  }
0x1d0: {  	v50 =	vor.u32 $0x1A, v1;
	v49 =	vadd.s32 v1, v48;
	v5 =	vand.u32 $0x7F, v47;
	v3 =	vld.idx.msk [tilespmem:v3+s15+$0x0], $0xffff  }
0x1d1: {  	v4 =	vor.u32 v5, v49;
	_ =	sdelay $0x2  }
0x1d2: {  	v51 =	vadd.s32 $0x1C, v2  }
0x1d3: {  	v52 =	vand.u32 $0xFFFFFF80, v51;
	[tilespmem:v50+s20+$0x0] =	vst.idx.msk $0xffff, v3  }
0x1d4: {  	v53 =	vor.u32 $0x1B, v1;
	v5 =	vand.u32 $0x7F, v51;
	v3 =	vadd.s32 v1, v52;
	v4 =	vld.idx.msk [tilespmem:v4+s15+$0x0], $0xffff  }
0x1d5: {  	v3 =	vor.u32 v5, v3;
	_ =	sdelay $0x2  }
0x1d6: {  	v54 =	vadd.s32 $0x1D, v2  }
0x1d7: {  	v55 =	vand.u32 $0xFFFFFF80, v54;
	[tilespmem:v53+s20+$0x0] =	vst.idx.msk $0xffff, v4  }
0x1d8: {  	v57 =	vor.u32 $0x1C, v1;
	v56 =	vadd.s32 v1, v55;
	v5 =	vand.u32 $0x7F, v54;
	v3 =	vld.idx.msk [tilespmem:v3+s15+$0x0], $0xffff  }
0x1d9: {  	v4 =	vor.u32 v5, v56;
	_ =	sdelay $0x2  }
0x1da: {  	v58 =	vadd.s32 $0x1E, v2  }
0x1db: {  	v59 =	vand.u32 $0xFFFFFF80, v58;
	[tilespmem:v57+s20+$0x0] =	vst.idx.msk $0xffff, v3  }
0x1dc: {  	v60 =	vor.u32 $0x1D, v1;
	v5 =	vand.u32 $0x7F, v58;
	v3 =	vadd.s32 v1, v59;
	v4 =	vld.idx.msk [tilespmem:v4+s15+$0x0], $0xffff  }
0x1dd: {  	v3 =	vor.u32 v5, v3;
	_ =	sdelay $0x2  }
0x1de: {  	v2 =	vadd.s32 $0x1F, v2  }
0x1df: {  	v61 =	vand.u32 $0xFFFFFF80, v2;
	[tilespmem:v60+s20+$0x0] =	vst.idx.msk $0xffff, v4  }
0x1e0: {  	v2 =	vand.u32 $0x7F, v2;
	v62 =	vadd.s32 v1, v61;
	v63 =	vor.u32 $0x1E, v1;
	v3 =	vld.idx.msk [tilespmem:v3+s15+$0x0], $0xffff  }
0x1e1: {  	v2 =	vor.u32 v2, v62;
	_ =	sdelay $0x3  }
0x1e2: {  	[tilespmem:v63+s20+$0x0] =	vst.idx.msk $0xffff, v3  }
0x1e3: {  	s29 =	sadd.s32 $0x1, s29;
	s30 =	simm.s32 $0x10;
	s25 =	smov.u32 s26;
	v1 =	vor.u32 $0x1F, v1;
	v2 =	vld.idx.msk [tilespmem:v2+s15+$0x0], $0xffff  }
.LBB2_7:
0x1e4: {  	_ =	sdelay $0x2  }
0x1e5: {  	p0 =	sne.s32 s30, $0x70  }
0x1e6: {  	s25 =	sadd.s32 $0x10, s25;
	s0 =	smov.u32 s30;
	s30 =	sadd.s32 $0x10, s30;
	[tilespmem:v1+s20+$0x0] =	vst.idx.msk $0xffff, v2  }
0x1e7: {  	v2 =	vld [tilespmem:s25+$0x0];
	_ =	sdelay $0x2  }
0x1e8: {  	v1 =	vmov s0  }
0x1e9: {  	v1 =	vshll.u32 v1, $0x7  }
0x1ea: {  	v1 =	vor.u32 v0, v1;
	v3 =	vand.u32 $0xFFFFFF80, v2;
	v5 =	vadd.s32 $0x1, v2  }
0x1eb: {  	v4 =	vand.u32 $0x7F, v2;
	v3 =	vadd.s32 v1, v3;
	v6 =	vand.u32 $0xFFFFFF80, v5  }
0x1ec: {  	v7 =	vadd.s32 $0x2, v2;
	v3 =	vor.u32 v4, v3;
	v6 =	vadd.s32 v1, v6  }
0x1ed: {  	v8 =	vadd.s32 $0x3, v2;
	v9 =	vadd.s32 $0x4, v2;
	v4 =	vand.u32 $0xFFFFFF80, v7  }
0x1ee: {  	v11 =	vand.u32 $0xFFFFFF80, v9;
	v10 =	vadd.s32 v1, v4;
	v4 =	vand.u32 $0xFFFFFF80, v8  }
0x1ef: {  	v11 =	vadd.s32 v1, v11;
	v12 =	vadd.s32 v1, v4;
	v4 =	vadd.s32 $0x5, v2  }
0x1f0: {  	v52 =	vadd.s32 $0x6, v2;
	v48 =	vadd.s32 $0x7, v2;
	v13 =	vand.u32 $0xFFFFFF80, v4  }
0x1f1: {  	v14 =	vand.u32 $0xFFFFFF80, v48;
	v54 =	vadd.s32 v1, v13;
	v13 =	vand.u32 $0xFFFFFF80, v52;
	v3 =	vld.idx.msk [tilespmem:v3+s15+$0x0], $0xffff  }
0x1f2: {  	v5 =	vand.u32 $0x7F, v5;
	v51 =	vadd.s32 v1, v14;
	v53 =	vadd.s32 v1, v13  }
0x1f3: {  	v49 =	vadd.s32 $0x8, v2;
	v46 =	vadd.s32 $0x9, v2;
	v5 =	vor.u32 v5, v6  }
0x1f4: {  	v43 =	vadd.s32 $0xA, v2;
	v6 =	vand.u32 $0xFFFFFF80, v49;
	v13 =	vand.u32 $0xFFFFFF80, v46  }
0x1f5: {  	v50 =	vadd.s32 v1, v6;
	v6 =	vand.u32 $0xFFFFFF80, v43;
	v47 =	vadd.s32 v1, v13  }
0x1f6: {  	v42 =	vadd.s32 $0xB, v2;
	v39 =	vadd.s32 $0xC, v2;
	v45 =	vadd.s32 v1, v6  }
0x1f7: {  	v36 =	vadd.s32 $0xD, v2;
	v6 =	vand.u32 $0xFFFFFF80, v39;
	[tilespmem:v1+s20+$0x0] =	vst.idx.msk $0xffff, v3;
	v3 =	vand.u32 $0xFFFFFF80, v42  }
0x1f8: {  	v41 =	vadd.s32 v1, v6;
	v5 =	vld.idx.msk [tilespmem:v5+s15+$0x0], $0xffff;
	v44 =	vadd.s32 v1, v3;
	v3 =	vand.u32 $0xFFFFFF80, v36  }
0x1f9: {  	v7 =	vand.u32 $0x7F, v7;
	v6 =	vor.u32 $0x1, v1;
	v40 =	vadd.s32 v1, v3  }
0x1fa: {  	v37 =	vadd.s32 $0xE, v2;
	v34 =	vadd.s32 $0xF, v2;
	v3 =	vor.u32 v7, v10  }
0x1fb: {  	v31 =	vadd.s32 $0x10, v2;
	v7 =	vand.u32 $0xFFFFFF80, v37;
	v10 =	vand.u32 $0xFFFFFF80, v34  }
0x1fc: {  	v38 =	vadd.s32 v1, v7;
	v35 =	vadd.s32 v1, v10;
	v7 =	vand.u32 $0xFFFFFF80, v31  }
0x1fd: {  	v30 =	vadd.s32 $0x11, v2;
	v27 =	vadd.s32 $0x12, v2;
	v33 =	vadd.s32 v1, v7  }
0x1fe: {  	v24 =	vadd.s32 $0x13, v2;
	[tilespmem:v6+s20+$0x0] =	vst.idx.msk $0xffff, v5;
	v5 =	vand.u32 $0xFFFFFF80, v30;
	v6 =	vand.u32 $0xFFFFFF80, v27  }
0x1ff: {  	v3 =	vld.idx.msk [tilespmem:v3+s15+$0x0], $0xffff;
	v32 =	vadd.s32 v1, v5;
	v29 =	vadd.s32 v1, v6;
	v5 =	vand.u32 $0xFFFFFF80, v24  }
0x200: {  	v7 =	vand.u32 $0x7F, v8;
	v6 =	vor.u32 $0x2, v1;
	v28 =	vadd.s32 v1, v5  }
0x201: {  	v25 =	vadd.s32 $0x14, v2;
	v22 =	vadd.s32 $0x15, v2;
	v5 =	vor.u32 v7, v12  }
0x202: {  	v19 =	vadd.s32 $0x16, v2;
	v8 =	vand.u32 $0xFFFFFF80, v22;
	v7 =	vand.u32 $0xFFFFFF80, v25  }
0x203: {  	v23 =	vadd.s32 v1, v8;
	v26 =	vadd.s32 v1, v7;
	v7 =	vand.u32 $0xFFFFFF80, v19  }
0x204: {  	v18 =	vadd.s32 $0x17, v2;
	v15 =	vadd.s32 $0x18, v2;
	v21 =	vadd.s32 v1, v7  }
0x205: {  	v12 =	vadd.s32 $0x19, v2;
	[tilespmem:v6+s20+$0x0] =	vst.idx.msk $0xffff, v3;
	v3 =	vand.u32 $0xFFFFFF80, v18;
	v6 =	vand.u32 $0xFFFFFF80, v15  }
0x206: {  	v5 =	vld.idx.msk [tilespmem:v5+s15+$0x0], $0xffff;
	v20 =	vadd.s32 v1, v3;
	v17 =	vadd.s32 v1, v6;
	v3 =	vand.u32 $0xFFFFFF80, v12  }
0x207: {  	v8 =	vor.u32 $0x3, v1;
	v6 =	vand.u32 $0x7F, v9;
	v16 =	vadd.s32 v1, v3  }
0x208: {  	v13 =	vadd.s32 $0x1A, v2;
	v10 =	vadd.s32 $0x1B, v2;
	v55 =	vor.u32 v6, v11  }
0x209: {  	v7 =	vadd.s32 $0x1C, v2;
	v3 =	vand.u32 $0xFFFFFF80, v13;
	v6 =	vand.u32 $0xFFFFFF80, v10  }
0x20a: {  	v14 =	vadd.s32 v1, v3;
	v11 =	vadd.s32 v1, v6;
	v3 =	vand.u32 $0xFFFFFF80, v7  }
0x20b: {  	v6 =	vadd.s32 $0x1D, v2;
	v9 =	vadd.s32 v1, v3;
	v3 =	vadd.s32 $0x1E, v2  }
0x20c: {  	v2 =	vadd.s32 $0x1F, v2;
	v56 =	vand.u32 $0xFFFFFF80, v3;
	[tilespmem:v8+s20+$0x0] =	vst.idx.msk $0xffff, v5;
	v5 =	vand.u32 $0xFFFFFF80, v6  }
0x20d: {  	v55 =	vld.idx.msk [tilespmem:v55+s15+$0x0], $0xffff;
	v8 =	vadd.s32 v1, v5;
	v5 =	vadd.s32 v1, v56;
	v56 =	vand.u32 $0xFFFFFF80, v2  }
0x20e: {  	v57 =	vor.u32 $0x4, v1;
	v58 =	vand.u32 $0x7F, v4;
	v4 =	vadd.s32 v1, v56  }
0x20f: {  	v54 =	vor.u32 v58, v54;
	_ =	sdelay $0x3  }
0x210: {  	[tilespmem:v57+s20+$0x0] =	vst.idx.msk $0xffff, v55  }
0x211: {  	v54 =	vld.idx.msk [tilespmem:v54+s15+$0x0], $0xffff  }
0x212: {  	v52 =	vand.u32 $0x7F, v52;
	v55 =	vor.u32 $0x5, v1  }
0x213: {  	v52 =	vor.u32 v52, v53;
	_ =	sdelay $0x3  }
0x214: {  	[tilespmem:v55+s20+$0x0] =	vst.idx.msk $0xffff, v54  }
0x215: {  	v52 =	vld.idx.msk [tilespmem:v52+s15+$0x0], $0xffff  }
0x216: {  	v48 =	vand.u32 $0x7F, v48;
	v53 =	vor.u32 $0x6, v1  }
0x217: {  	v48 =	vor.u32 v48, v51;
	_ =	sdelay $0x3  }
0x218: {  	[tilespmem:v53+s20+$0x0] =	vst.idx.msk $0xffff, v52  }
0x219: {  	v48 =	vld.idx.msk [tilespmem:v48+s15+$0x0], $0xffff  }
0x21a: {  	v51 =	vor.u32 $0x7, v1;
	v49 =	vand.u32 $0x7F, v49  }
0x21b: {  	v49 =	vor.u32 v49, v50;
	_ =	sdelay $0x3  }
0x21c: {  	[tilespmem:v51+s20+$0x0] =	vst.idx.msk $0xffff, v48  }
0x21d: {  	v48 =	vld.idx.msk [tilespmem:v49+s15+$0x0], $0xffff  }
0x21e: {  	v46 =	vand.u32 $0x7F, v46;
	v49 =	vor.u32 $0x8, v1  }
0x21f: {  	v46 =	vor.u32 v46, v47;
	_ =	sdelay $0x3  }
0x220: {  	[tilespmem:v49+s20+$0x0] =	vst.idx.msk $0xffff, v48  }
0x221: {  	v46 =	vld.idx.msk [tilespmem:v46+s15+$0x0], $0xffff  }
0x222: {  	v43 =	vand.u32 $0x7F, v43;
	v47 =	vor.u32 $0x9, v1  }
0x223: {  	v43 =	vor.u32 v43, v45;
	_ =	sdelay $0x3  }
0x224: {  	[tilespmem:v47+s20+$0x0] =	vst.idx.msk $0xffff, v46  }
0x225: {  	v43 =	vld.idx.msk [tilespmem:v43+s15+$0x0], $0xffff  }
0x226: {  	v45 =	vor.u32 $0xA, v1;
	v42 =	vand.u32 $0x7F, v42  }
0x227: {  	v42 =	vor.u32 v42, v44;
	_ =	sdelay $0x3  }
0x228: {  	[tilespmem:v45+s20+$0x0] =	vst.idx.msk $0xffff, v43  }
0x229: {  	v42 =	vld.idx.msk [tilespmem:v42+s15+$0x0], $0xffff  }
0x22a: {  	v39 =	vand.u32 $0x7F, v39;
	v43 =	vor.u32 $0xB, v1  }
0x22b: {  	v39 =	vor.u32 v39, v41;
	_ =	sdelay $0x3  }
0x22c: {  	[tilespmem:v43+s20+$0x0] =	vst.idx.msk $0xffff, v42  }
0x22d: {  	v39 =	vld.idx.msk [tilespmem:v39+s15+$0x0], $0xffff  }
0x22e: {  	v41 =	vor.u32 $0xC, v1;
	v36 =	vand.u32 $0x7F, v36  }
0x22f: {  	v36 =	vor.u32 v36, v40;
	_ =	sdelay $0x3  }
0x230: {  	[tilespmem:v41+s20+$0x0] =	vst.idx.msk $0xffff, v39  }
0x231: {  	v36 =	vld.idx.msk [tilespmem:v36+s15+$0x0], $0xffff  }
0x232: {  	v37 =	vand.u32 $0x7F, v37;
	v39 =	vor.u32 $0xD, v1  }
0x233: {  	v37 =	vor.u32 v37, v38;
	_ =	sdelay $0x3  }
0x234: {  	[tilespmem:v39+s20+$0x0] =	vst.idx.msk $0xffff, v36  }
0x235: {  	v36 =	vld.idx.msk [tilespmem:v37+s15+$0x0], $0xffff  }
0x236: {  	v34 =	vand.u32 $0x7F, v34;
	v37 =	vor.u32 $0xE, v1  }
0x237: {  	v34 =	vor.u32 v34, v35;
	_ =	sdelay $0x3  }
0x238: {  	[tilespmem:v37+s20+$0x0] =	vst.idx.msk $0xffff, v36  }
0x239: {  	v34 =	vld.idx.msk [tilespmem:v34+s15+$0x0], $0xffff  }
0x23a: {  	v31 =	vand.u32 $0x7F, v31;
	v35 =	vor.u32 $0xF, v1  }
0x23b: {  	v31 =	vor.u32 v31, v33;
	_ =	sdelay $0x3  }
0x23c: {  	[tilespmem:v35+s20+$0x0] =	vst.idx.msk $0xffff, v34  }
0x23d: {  	v31 =	vld.idx.msk [tilespmem:v31+s15+$0x0], $0xffff  }
0x23e: {  	v33 =	vor.u32 $0x10, v1;
	v30 =	vand.u32 $0x7F, v30  }
0x23f: {  	v30 =	vor.u32 v30, v32;
	_ =	sdelay $0x3  }
0x240: {  	[tilespmem:v33+s20+$0x0] =	vst.idx.msk $0xffff, v31  }
0x241: {  	v30 =	vld.idx.msk [tilespmem:v30+s15+$0x0], $0xffff  }
0x242: {  	v27 =	vand.u32 $0x7F, v27;
	v31 =	vor.u32 $0x11, v1  }
0x243: {  	v27 =	vor.u32 v27, v29;
	_ =	sdelay $0x3  }
0x244: {  	[tilespmem:v31+s20+$0x0] =	vst.idx.msk $0xffff, v30  }
0x245: {  	v27 =	vld.idx.msk [tilespmem:v27+s15+$0x0], $0xffff  }
0x246: {  	v24 =	vand.u32 $0x7F, v24;
	v29 =	vor.u32 $0x12, v1  }
0x247: {  	v24 =	vor.u32 v24, v28;
	_ =	sdelay $0x3  }
0x248: {  	[tilespmem:v29+s20+$0x0] =	vst.idx.msk $0xffff, v27  }
0x249: {  	v24 =	vld.idx.msk [tilespmem:v24+s15+$0x0], $0xffff  }
0x24a: {  	v25 =	vand.u32 $0x7F, v25;
	v27 =	vor.u32 $0x13, v1  }
0x24b: {  	v25 =	vor.u32 v25, v26;
	_ =	sdelay $0x3  }
0x24c: {  	[tilespmem:v27+s20+$0x0] =	vst.idx.msk $0xffff, v24  }
0x24d: {  	v24 =	vld.idx.msk [tilespmem:v25+s15+$0x0], $0xffff  }
0x24e: {  	v22 =	vand.u32 $0x7F, v22;
	v25 =	vor.u32 $0x14, v1  }
0x24f: {  	v22 =	vor.u32 v22, v23;
	_ =	sdelay $0x3  }
0x250: {  	[tilespmem:v25+s20+$0x0] =	vst.idx.msk $0xffff, v24  }
0x251: {  	v22 =	vld.idx.msk [tilespmem:v22+s15+$0x0], $0xffff  }
0x252: {  	v23 =	vor.u32 $0x15, v1;
	v19 =	vand.u32 $0x7F, v19  }
0x253: {  	v19 =	vor.u32 v19, v21;
	_ =	sdelay $0x3  }
0x254: {  	[tilespmem:v23+s20+$0x0] =	vst.idx.msk $0xffff, v22  }
0x255: {  	v19 =	vld.idx.msk [tilespmem:v19+s15+$0x0], $0xffff  }
0x256: {  	v21 =	vor.u32 $0x16, v1;
	v18 =	vand.u32 $0x7F, v18  }
0x257: {  	v18 =	vor.u32 v18, v20;
	_ =	sdelay $0x3  }
0x258: {  	[tilespmem:v21+s20+$0x0] =	vst.idx.msk $0xffff, v19  }
0x259: {  	v18 =	vld.idx.msk [tilespmem:v18+s15+$0x0], $0xffff  }
0x25a: {  	v15 =	vand.u32 $0x7F, v15;
	v19 =	vor.u32 $0x17, v1  }
0x25b: {  	v15 =	vor.u32 v15, v17;
	_ =	sdelay $0x3  }
0x25c: {  	[tilespmem:v19+s20+$0x0] =	vst.idx.msk $0xffff, v18  }
0x25d: {  	v15 =	vld.idx.msk [tilespmem:v15+s15+$0x0], $0xffff  }
0x25e: {  	v12 =	vand.u32 $0x7F, v12;
	v17 =	vor.u32 $0x18, v1  }
0x25f: {  	v12 =	vor.u32 v12, v16;
	_ =	sdelay $0x3  }
0x260: {  	[tilespmem:v17+s20+$0x0] =	vst.idx.msk $0xffff, v15  }
0x261: {  	v12 =	vld.idx.msk [tilespmem:v12+s15+$0x0], $0xffff  }
0x262: {  	v13 =	vand.u32 $0x7F, v13;
	v15 =	vor.u32 $0x19, v1  }
0x263: {  	v13 =	vor.u32 v13, v14;
	_ =	sdelay $0x3  }
0x264: {  	[tilespmem:v15+s20+$0x0] =	vst.idx.msk $0xffff, v12  }
0x265: {  	v12 =	vld.idx.msk [tilespmem:v13+s15+$0x0], $0xffff  }
0x266: {  	v10 =	vand.u32 $0x7F, v10;
	v13 =	vor.u32 $0x1A, v1  }
0x267: {  	v10 =	vor.u32 v10, v11;
	_ =	sdelay $0x3  }
0x268: {  	[tilespmem:v13+s20+$0x0] =	vst.idx.msk $0xffff, v12  }
0x269: {  	v10 =	vld.idx.msk [tilespmem:v10+s15+$0x0], $0xffff  }
0x26a: {  	v7 =	vand.u32 $0x7F, v7;
	v11 =	vor.u32 $0x1B, v1  }
0x26b: {  	v7 =	vor.u32 v7, v9;
	_ =	sdelay $0x3  }
0x26c: {  	[tilespmem:v11+s20+$0x0] =	vst.idx.msk $0xffff, v10  }
0x26d: {  	v7 =	vld.idx.msk [tilespmem:v7+s15+$0x0], $0xffff  }
0x26e: {  	v9 =	vor.u32 $0x1C, v1;
	v6 =	vand.u32 $0x7F, v6  }
0x26f: {  	v6 =	vor.u32 v6, v8;
	_ =	sdelay $0x3  }
0x270: {  	[tilespmem:v9+s20+$0x0] =	vst.idx.msk $0xffff, v7  }
0x271: {  	v6 =	vld.idx.msk [tilespmem:v6+s15+$0x0], $0xffff  }
0x272: {  	v3 =	vand.u32 $0x7F, v3;
	v7 =	vor.u32 $0x1D, v1  }
0x273: {  	v3 =	vor.u32 v3, v5;
	_ =	sdelay $0x3  }
0x274: {  	[tilespmem:v7+s20+$0x0] =	vst.idx.msk $0xffff, v6  }
0x275: {  	v3 =	vld.idx.msk [tilespmem:v3+s15+$0x0], $0xffff  }
0x276: {  	v2 =	vand.u32 $0x7F, v2;
	v5 =	vor.u32 $0x1E, v1  }
0x277: {  	v2 =	vor.u32 v2, v4;
	_ =	sdelay $0x1  }
.Ltmp2:
0x278: {  	(pc) =	sbr.rel @p0 .LBB2_7-.Ltmp2, $4  }
0x279: {  	_ = 	snop  }
0x27a: {  	[tilespmem:v5+s20+$0x0] =	vst.idx.msk $0xffff, v3  }
0x27b: {  	v2 =	vld.idx.msk [tilespmem:v2+s15+$0x0], $0xffff  }
0x27c: {  	v1 =	vor.u32 $0x1F, v1  }
0x27d: {  	p0 =	sne.s32 s29, $0x34  }
.Ltmp3:
0x27e: {  	_ = 	snop;
	(pc) =	sbr.rel @p0 .LBB2_4-.Ltmp3, $4  }
0x27f: {  	s0 =	sadd.s32 s3, s28  }
0x280: {  	s0 =	sshll.u32 s0, $0x4  }
0x281: {  	s1 =	sadd.s32 $0x100, s1;
	s26 =	sadd.s32 $0x100, s26;
	s0 =	sadd.s32 s5, s0;
	[tilespmem:v1+s20+$0x0] =	vst.idx.msk $0xffff, v2  }
0x282: {  	[hbm4b:s0+s2] =	stream.linear.scatter [tilespmem:s20], [sflag:$0x4], $0x4000, $0x38;
	[tilespmem:$0x19C00] =	vst v63  }
0x283: {  	s23 =	sadd.s32 $0x1, s23  }
0x284: {  	_ =	swait.ge [sflag:s21], $0x4000;
	p0 =	sne.s32 s23, s9  }
.Ltmp4:
0x285: {  	[sflag:s21] =	ssyncset.done $0x0;
	(pc) =	sbr.rel @p0 .LBB2_1-.Ltmp4, $4  }
0x286: {  	[sflag:s21] =	ssyncadd.s32 $0xFFFFC000  }
0x287: {  	_ =	swait.ge [sflag:s22], $0x4000  }
0x288: {  	[sflag:s22] =	ssyncset.done $0x0  }
0x289: {  	[sflag:s22] =	ssyncadd.s32 $0xFFFFC000  }
0x28a: {  	_ =	sfence.sel $0x180000  }
0x28b: {  	[bflag:$0x0] =	sbarrier.arrive $0xFFFF  }
0x28c: {  	_ =	strace $0x90000047  }
0x28d: {  	s0 =	stileid.u32;
	[bflag:$0x2] =	sbarrier.arrive $0xFFFF  }
0x28e: {  	p0 =	sne.s32 s0, $0x0;
	s0 =	rddreg [dreg:$0x1]  }
0x28f: {  	s0 =	sadd.s32 @!p0 $0x100000, s0  }
0x290: {  	[sflag:s0] =	ssyncadd.tile.s32 @!p0 $0x1;
	_ =	shalt  }
.Lfunc_end2:
_tile_overlayer_lowered:
.L_overlay_start_2:
0x291: {  	(tag) =	ssettag $0x2  }
0x292: {  	s0 =	rddreg [dreg:$0x0];
	s2 =	stileid.u32  }
0x293: {  	s1 =	rddreg [dreg:$0x1];
	p0 =	sne.s32 s2, $0x0  }
0x294: {  	s3 =	rddreg [dreg:$0x2];
	[bflag:$0x3] =	sbarrier.arrive $0xFFFF;
	s2 =	simm.s32 @!p0 $0x1C05  }
0x295: {  	[timem:s3], [sflag:s2] =	dma.local @!p0 [hbm:s0], s1  }
0x296: {  	s0 =	simm.s32 @!p0 $0x5  }
0x297: {  	_ =	swait.ge @!p0 [sflag:s0], s1  }
0x298: {  	s1 =	ssub.s32 @!p0 $0x0, s1;
	[sflag:s0] =	ssyncset.done @!p0 $0x0  }
0x299: {  	[sflag:s0] =	ssyncadd.s32 @!p0 s1  }
0x29a: {  	[bflag:$0x3] =	sbarrier.arrive $0xFFFF  }
0x29b: {  	_ =	shalt  }

</sc_bundles>
